<compile_context>
chip_gen: v7x
topology: tpu7x:2x2x1
jax: 0.10.2.dev20260603
libtpu: 0.0.44.dev20260713+nightly
codegen_flags: <defaults>
</compile_context>

<pallas_src>
import functools

import jax
import jax.numpy as jnp
from jax import lax
from jax.experimental import pallas as pl
from jax.experimental.pallas import tpu as pltpu
from jax.experimental.pallas import tpu_sc as plsc

NC = 2
NS = 16
NW = NC * NS
CHUNK = 128
K = 5


@functools.partial(jax.jit, static_argnums=(2, 3))
def _gather_rows(table, idx, n_chunks, d):
    mesh = plsc.VectorSubcoreMesh(core_axis_name="c", subcore_axis_name="s")
    n_super = n_chunks // K
    assert n_chunks % K == 0 and n_super % 2 == 0

    @functools.partial(
        pl.kernel,
        mesh=mesh,
        out_type=jax.ShapeDtypeStruct((NW * n_super, K, CHUNK, d),
                                      jnp.float32),
        scratch_types=[
            pltpu.VMEM((n_chunks, CHUNK), jnp.int32),
            pltpu.VMEM((K, CHUNK, d), jnp.float32),
            pltpu.VMEM((K, CHUNK, d), jnp.float32),
            pltpu.VMEM_SHARED((103, d), jnp.float32),
            pltpu.SemaphoreType.DMA,
            pltpu.SemaphoreType.DMA,
            pltpu.SemaphoreType.DMA,
        ],
        compiler_params=pltpu.CompilerParams(use_tc_tiling_on_sc=False),
    )
    def k(table_hbm, idx_hbm, out_hbm, idx_v, buf0, buf1, table_v, gsem,
          wsem0, wsem1):
        wid = lax.axis_index("s") * NC + lax.axis_index("c")
        base = wid * n_super
        @pl.when(lax.axis_index("s") == 0)
        def _():
            pltpu.sync_copy(table_hbm, table_v)
        pltpu.sync_copy(idx_hbm.at[pl.ds(wid * n_chunks, n_chunks)], idx_v)
        plsc.subcore_barrier()

        def super_chunk(sc, buf, wsem, first):
            @pl.when(jnp.logical_not(first))
            def _():
                pltpu.make_async_copy(buf, out_hbm.at[base], wsem).wait()
            cps = []
            for t in range(K):
                cps.append(pltpu.async_copy(
                    table_v.at[idx_v.at[sc * K + t]], buf.at[t], gsem))
            for cp in cps:
                cp.wait()
            pltpu.async_copy(buf, out_hbm.at[base + sc], wsem)

        def body(p, carry):
            super_chunk(2 * p, buf0, wsem0, p == 0)
            super_chunk(2 * p + 1, buf1, wsem1, p == 0)
            return carry

        lax.fori_loop(0, n_super // 2, body, 0)
        pltpu.make_async_copy(buf0, out_hbm.at[base], wsem0).wait()
        pltpu.make_async_copy(buf1, out_hbm.at[base], wsem1).wait()

    return k(table, idx)


def kernel(indices, table):
    b, s, p = indices.shape
    d = table.shape[1]
    total = b * s * p
    n_chunks = total // (NW * CHUNK)
    idx = indices.reshape(NW * n_chunks, CHUNK).astype(jnp.int32)
    out = _gather_rows(table, idx, n_chunks, d)
    return out.reshape(b, s, p * d)

# --- scband reference (transcript-rebuilt; emitter-appended) ---
"""Pipeline reference for scband-layer-char-embeddings-29884382445581 (READ-ONLY COPY).

The authoritative reference and input builder live on the scoring server;
editing this copy changes nothing except your own understanding.
"""

import jax, jax.numpy as jnp
import numpy as np

NUM_EMB = 103  # string.printable (100) + unk + 1 extra, padding_idx=0
EMB_DIM = 32
MAX_PAD = 20
BATCH = 1024
SEQ = 50


def setup_inputs(seed: int = 0) -> dict:
    key = jax.random.key(seed)
    k1, k2 = jax.random.split(key)
    indices = jax.random.randint(k1, (BATCH, SEQ, MAX_PAD), 0, NUM_EMB)
    table = jax.random.uniform(k2, (NUM_EMB, EMB_DIM), minval=-0.5, maxval=0.5, dtype=jnp.float32)
    table = table.at[0].set(0.0)  # padding_idx=0 -> zero row
    return {"indices": indices, "table": table}


def reference(indices, table):
    # Faithful translation of LayerCharEmbeddings.forward:
    # per word: lookup MAX_PAD char embeddings, flatten to feature_dim = MAX_PAD * EMB_DIM,
    # assemble into [batch, max_seq_len, feature_dim].
    B, S, P = indices.shape
    emb = jnp.take(table, indices, axis=0)            # [B, S, P, D] gather
    feat = emb.reshape(B, S, P * table.shape[1])       # [B, S, P*D]
    return feat

if __name__ == "__main__":
    import jax
    _d = setup_inputs()
    print(jax.jit(kernel)(*tuple(_d.values())))

</pallas_src>

<mosaic_0001>
#map = affine_map<(d0, d1) -> (0, 0)>
#map1 = affine_map<(d0, d1) -> (0, 0, 0, 0)>
module attributes {stable_mosaic.version = 14 : i64} {
  func.func @k(%arg0: i32, %arg1: i32, %arg2: memref<103x32xf32, #tpu.memory_space<hbm>>, %arg3: memref<8000x128xi32, #tpu.memory_space<hbm>>, %arg4: memref<1600x5x128x32xf32, #tpu.memory_space<hbm>>, %arg5: memref<250x128xi32, #tpu.memory_space<vmem>>, %arg6: memref<5x128x32xf32, #tpu.memory_space<vmem>>, %arg7: memref<5x128x32xf32, #tpu.memory_space<vmem>>, %arg8: memref<103x32xf32, #tpu.memory_space<vmem_shared>>, %arg9: memref<!tpu.dma_semaphore, #tpu.memory_space<semaphore_mem>>, %arg10: memref<!tpu.dma_semaphore, #tpu.memory_space<semaphore_mem>>, %arg11: memref<!tpu.dma_semaphore, #tpu.memory_space<semaphore_mem>>) attributes {dimension_semantics = [#tpu.dimension_semantics<core_parallel>, #tpu.dimension_semantics<subcore_parallel>], iteration_bounds = array<i64: 2, 16>, scalar_prefetch = 0 : i64, scratch_operands = 7 : i64, tpu.core_type = #tpu.core_type<sc_vector_subcore>, window_params = [{transform_indices = #map}, {transform_indices = #map}, {transform_indices = #map1}]} {
    %mul3A = arith.constant 2 : i32
    %mul3A_0 = arith.muli %arg1, %mul3A : i32
    %add3A = arith.addi %mul3A_0, %arg0 : i32
    %mul3A_1 = arith.constant 50 : i32
    %mul3A_2 = arith.muli %add3A, %mul3A_1 : i32
    %eq3A = arith.constant 0 : i32
    %eq3A_3 = arith.cmpi eq, %arg1, %eq3A : i32
    %convert_element_type3A = arith.extui %eq3A_3 : i1 to i32
    %cond3A = arith.constant 0 : i32
    %cond3A_4 = arith.cmpi ne, %convert_element_type3A, %cond3A : i32
    scf.if %cond3A_4 {
      "tpu.region"() ({
        %run_scoped3A = tpu.sem_alloc : memref<!tpu.dma_semaphore, #tpu.memory_space<semaphore_mem>>
        tpu.enqueue_dma source(%arg2 : memref<103x32xf32, #tpu.memory_space<hbm>>) target(%arg8 : memref<103x32xf32, #tpu.memory_space<vmem_shared>>) target_semaphore(%run_scoped3A : memref<!tpu.dma_semaphore, #tpu.memory_space<semaphore_mem>>)
        tpu.wait_dma2 semaphore(%run_scoped3A : memref<!tpu.dma_semaphore, #tpu.memory_space<semaphore_mem>>) src(%arg2 : memref<103x32xf32, #tpu.memory_space<hbm>>) dst(%arg8 : memref<103x32xf32, #tpu.memory_space<vmem_shared>>)
        tpu.yield
      }) : () -> ()
    } else {
    }
    %mul3A_5 = arith.constant 250 : i32
    %mul3A_6 = arith.muli %add3A, %mul3A_5 : i32
    "tpu.region"() ({
      %run_scoped3A = tpu.sem_alloc : memref<!tpu.dma_semaphore, #tpu.memory_space<semaphore_mem>>
      %dma_start3A = arith.constant 0 : i32
      %dma_start3A_31 = tpu.memref_slice %arg3[%mul3A_6, %dma_start3A] : memref<8000x128xi32, #tpu.memory_space<hbm>> -> memref<250x128xi32, #tpu.memory_space<hbm>>
      %dma_start3A_32 = arith.constant 0 : i32
      %dma_start3A_33 = tpu.memref_slice %arg3[%mul3A_6, %dma_start3A_32] : memref<8000x128xi32, #tpu.memory_space<hbm>> -> memref<250x128xi32, #tpu.memory_space<hbm>>
      tpu.enqueue_dma source(%dma_start3A_33 : memref<250x128xi32, #tpu.memory_space<hbm>>) target(%arg5 : memref<250x128xi32, #tpu.memory_space<vmem>>) target_semaphore(%run_scoped3A : memref<!tpu.dma_semaphore, #tpu.memory_space<semaphore_mem>>)
      %dma_wait3A_34 = arith.constant 0 : i32
      %dma_wait3A_35 = tpu.memref_slice %arg3[%mul3A_6, %dma_wait3A_34] : memref<8000x128xi32, #tpu.memory_space<hbm>> -> memref<250x128xi32, #tpu.memory_space<hbm>>
      %dma_wait3A_36 = arith.constant 0 : i32
      %dma_wait3A_37 = tpu.memref_slice %arg3[%mul3A_6, %dma_wait3A_36] : memref<8000x128xi32, #tpu.memory_space<hbm>> -> memref<250x128xi32, #tpu.memory_space<hbm>>
      tpu.wait_dma2 semaphore(%run_scoped3A : memref<!tpu.dma_semaphore, #tpu.memory_space<semaphore_mem>>) src(%dma_wait3A_37 : memref<250x128xi32, #tpu.memory_space<hbm>>) dst(%arg5 : memref<250x128xi32, #tpu.memory_space<vmem>>)
      tpu.yield
    }) : () -> ()
    %barrier3A = arith.constant 0 : index
    tpu.barrier barrier_id(%barrier3A)
    %scan3A = arith.constant 0 : i32
    %scan3A_7 = arith.constant 0 : i32
    %scan3A_8 = arith.constant 25 : i32
    %scan3A_9 = arith.addi %scan3A_7, %scan3A_8 : i32
    %scan3A_10 = arith.constant 1 : i32
    scf.for %scan3A_31 = %scan3A_7 to %scan3A_9 step %scan3A_10  : i32 {
      %mul3A_32 = arith.constant 2 : i32
      %mul3A_33 = arith.muli %mul3A_32, %scan3A_31 : i32
      %eq3A_34 = arith.constant 0 : i32
      %eq3A_35 = arith.cmpi eq, %scan3A_31, %eq3A_34 : i32
      %not3A = arith.constant true
      %not3A_36 = arith.xori %eq3A_35, %not3A : i1
      %convert_element_type3A_37 = arith.extui %not3A_36 : i1 to i32
      %cond3A_38 = arith.constant 0 : i32
      %cond3A_39 = arith.cmpi ne, %convert_element_type3A_37, %cond3A_38 : i32
      scf.if %cond3A_39 {
        %dma_wait3A_332 = arith.constant 0 : i32
        %dma_wait3A_333 = arith.constant 0 : i32
        %dma_wait3A_334 = arith.constant 0 : i32
        %dma_wait3A_335 = tpu.memref_slice %arg4[%mul3A_2, %dma_wait3A_332, %dma_wait3A_333, %dma_wait3A_334] : memref<1600x5x128x32xf32, #tpu.memory_space<hbm>> -> memref<1x5x128x32xf32, #tpu.memory_space<hbm>>
        %dma_wait3A_336 = tpu.memref_squeeze %dma_wait3A_335 : memref<1x5x128x32xf32, #tpu.memory_space<hbm>> -> memref<5x128x32xf32, #tpu.memory_space<hbm>>
        %dma_wait3A_337 = arith.constant 0 : i32
        %dma_wait3A_338 = arith.constant 0 : i32
        %dma_wait3A_339 = arith.constant 0 : i32
        %dma_wait3A_340 = tpu.memref_slice %arg4[%mul3A_2, %dma_wait3A_337, %dma_wait3A_338, %dma_wait3A_339] : memref<1600x5x128x32xf32, #tpu.memory_space<hbm>> -> memref<1x5x128x32xf32, #tpu.memory_space<hbm>>
        %dma_wait3A_341 = tpu.memref_squeeze %dma_wait3A_340 : memref<1x5x128x32xf32, #tpu.memory_space<hbm>> -> memref<5x128x32xf32, #tpu.memory_space<hbm>>
        tpu.wait_dma2 semaphore(%arg10 : memref<!tpu.dma_semaphore, #tpu.memory_space<semaphore_mem>>) src(%arg6 : memref<5x128x32xf32, #tpu.memory_space<vmem>>) dst(%dma_wait3A_341 : memref<5x128x32xf32, #tpu.memory_space<hbm>>)
      } else {
      }
      %mul3A_40 = arith.constant 5 : i32
      %mul3A_41 = arith.muli %mul3A_33, %mul3A_40 : i32
      %add3A_42 = arith.constant 0 : i32
      %add3A_43 = arith.addi %mul3A_41, %add3A_42 : i32
      %dma_start3A = arith.constant 0 : i32
      %dma_start3A_44 = arith.constant 0 : i32
      %dma_start3A_45 = arith.constant 0 : i32
      %dma_start3A_46 = tpu.memref_slice %arg6[%dma_start3A, %dma_start3A_44, %dma_start3A_45] : memref<5x128x32xf32, #tpu.memory_space<vmem>> -> memref<1x128x32xf32, #tpu.memory_space<vmem>>
      %dma_start3A_47 = tpu.memref_squeeze %dma_start3A_46 : memref<1x128x32xf32, #tpu.memory_space<vmem>> -> memref<128x32xf32, #tpu.memory_space<vmem>>
      %dma_start3A_48 = arith.constant 0 : i32
      %dma_start3A_49 = tpu.memref_slice %arg5[%add3A_43, %dma_start3A_48] : memref<250x128xi32, #tpu.memory_space<vmem>> -> memref<1x128xi32, #tpu.memory_space<vmem>>
      %dma_start3A_50 = tpu.memref_squeeze %dma_start3A_49 : memref<1x128xi32, #tpu.memory_space<vmem>> -> memref<128xi32, #tpu.memory_space<vmem>>
      %dma_start3A_51 = arith.constant 0 : i32
      %dma_start3A_52 = arith.constant 0 : i32
      %dma_start3A_53 = tpu.memref_slice %arg8[%dma_start3A_51, %dma_start3A_52] : memref<103x32xf32, #tpu.memory_space<vmem_shared>> -> memref<103x32xf32, #tpu.memory_space<vmem_shared>>
      tpu.enqueue_indirect_dma source(%dma_start3A_53 : memref<103x32xf32, #tpu.memory_space<vmem_shared>>) target(%dma_start3A_47 : memref<128x32xf32, #tpu.memory_space<vmem>>) offsets(%dma_start3A_50 : memref<128xi32, #tpu.memory_space<vmem>>) semaphore(%arg9 : memref<!tpu.dma_semaphore, #tpu.memory_space<semaphore_mem>>)
      %mul3A_54 = arith.constant 5 : i32
      %mul3A_55 = arith.muli %mul3A_33, %mul3A_54 : i32
      %add3A_56 = arith.constant 1 : i32
      %add3A_57 = arith.addi %mul3A_55, %add3A_56 : i32
      %dma_start3A_58 = arith.constant 1 : i32
      %dma_start3A_59 = arith.constant 0 : i32
      %dma_start3A_60 = arith.constant 0 : i32
      %dma_start3A_61 = tpu.memref_slice %arg6[%dma_start3A_58, %dma_start3A_59, %dma_start3A_60] : memref<5x128x32xf32, #tpu.memory_space<vmem>> -> memref<1x128x32xf32, #tpu.memory_space<vmem>>
      %dma_start3A_62 = tpu.memref_squeeze %dma_start3A_61 : memref<1x128x32xf32, #tpu.memory_space<vmem>> -> memref<128x32xf32, #tpu.memory_space<vmem>>
      %dma_start3A_63 = arith.constant 0 : i32
      %dma_start3A_64 = tpu.memref_slice %arg5[%add3A_57, %dma_start3A_63] : memref<250x128xi32, #tpu.memory_space<vmem>> -> memref<1x128xi32, #tpu.memory_space<vmem>>
      %dma_start3A_65 = tpu.memref_squeeze %dma_start3A_64 : memref<1x128xi32, #tpu.memory_space<vmem>> -> memref<128xi32, #tpu.memory_space<vmem>>
      %dma_start3A_66 = arith.constant 0 : i32
      %dma_start3A_67 = arith.constant 0 : i32
      %dma_start3A_68 = tpu.memref_slice %arg8[%dma_start3A_66, %dma_start3A_67] : memref<103x32xf32, #tpu.memory_space<vmem_shared>> -> memref<103x32xf32, #tpu.memory_space<vmem_shared>>
      tpu.enqueue_indirect_dma source(%dma_start3A_68 : memref<103x32xf32, #tpu.memory_space<vmem_shared>>) target(%dma_start3A_62 : memref<128x32xf32, #tpu.memory_space<vmem>>) offsets(%dma_start3A_65 : memref<128xi32, #tpu.memory_space<vmem>>) semaphore(%arg9 : memref<!tpu.dma_semaphore, #tpu.memory_space<semaphore_mem>>)
      %mul3A_69 = arith.constant 5 : i32
      %mul3A_70 = arith.muli %mul3A_33, %mul3A_69 : i32
      %add3A_71 = arith.constant 2 : i32
      %add3A_72 = arith.addi %mul3A_70, %add3A_71 : i32
      %dma_start3A_73 = arith.constant 2 : i32
      %dma_start3A_74 = arith.constant 0 : i32
      %dma_start3A_75 = arith.constant 0 : i32
      %dma_start3A_76 = tpu.memref_slice %arg6[%dma_start3A_73, %dma_start3A_74, %dma_start3A_75] : memref<5x128x32xf32, #tpu.memory_space<vmem>> -> memref<1x128x32xf32, #tpu.memory_space<vmem>>
      %dma_start3A_77 = tpu.memref_squeeze %dma_start3A_76 : memref<1x128x32xf32, #tpu.memory_space<vmem>> -> memref<128x32xf32, #tpu.memory_space<vmem>>
      %dma_start3A_78 = arith.constant 0 : i32
      %dma_start3A_79 = tpu.memref_slice %arg5[%add3A_72, %dma_start3A_78] : memref<250x128xi32, #tpu.memory_space<vmem>> -> memref<1x128xi32, #tpu.memory_space<vmem>>
      %dma_start3A_80 = tpu.memref_squeeze %dma_start3A_79 : memref<1x128xi32, #tpu.memory_space<vmem>> -> memref<128xi32, #tpu.memory_space<vmem>>
      %dma_start3A_81 = arith.constant 0 : i32
      %dma_start3A_82 = arith.constant 0 : i32
      %dma_start3A_83 = tpu.memref_slice %arg8[%dma_start3A_81, %dma_start3A_82] : memref<103x32xf32, #tpu.memory_space<vmem_shared>> -> memref<103x32xf32, #tpu.memory_space<vmem_shared>>
      tpu.enqueue_indirect_dma source(%dma_start3A_83 : memref<103x32xf32, #tpu.memory_space<vmem_shared>>) target(%dma_start3A_77 : memref<128x32xf32, #tpu.memory_space<vmem>>) offsets(%dma_start3A_80 : memref<128xi32, #tpu.memory_space<vmem>>) semaphore(%arg9 : memref<!tpu.dma_semaphore, #tpu.memory_space<semaphore_mem>>)
      %mul3A_84 = arith.constant 5 : i32
      %mul3A_85 = arith.muli %mul3A_33, %mul3A_84 : i32
      %add3A_86 = arith.constant 3 : i32
      %add3A_87 = arith.addi %mul3A_85, %add3A_86 : i32
      %dma_start3A_88 = arith.constant 3 : i32
      %dma_start3A_89 = arith.constant 0 : i32
      %dma_start3A_90 = arith.constant 0 : i32
      %dma_start3A_91 = tpu.memref_slice %arg6[%dma_start3A_88, %dma_start3A_89, %dma_start3A_90] : memref<5x128x32xf32, #tpu.memory_space<vmem>> -> memref<1x128x32xf32, #tpu.memory_space<vmem>>
      %dma_start3A_92 = tpu.memref_squeeze %dma_start3A_91 : memref<1x128x32xf32, #tpu.memory_space<vmem>> -> memref<128x32xf32, #tpu.memory_space<vmem>>
      %dma_start3A_93 = arith.constant 0 : i32
      %dma_start3A_94 = tpu.memref_slice %arg5[%add3A_87, %dma_start3A_93] : memref<250x128xi32, #tpu.memory_space<vmem>> -> memref<1x128xi32, #tpu.memory_space<vmem>>
      %dma_start3A_95 = tpu.memref_squeeze %dma_start3A_94 : memref<1x128xi32, #tpu.memory_space<vmem>> -> memref<128xi32, #tpu.memory_space<vmem>>
      %dma_start3A_96 = arith.constant 0 : i32
      %dma_start3A_97 = arith.constant 0 : i32
      %dma_start3A_98 = tpu.memref_slice %arg8[%dma_start3A_96, %dma_start3A_97] : memref<103x32xf32, #tpu.memory_space<vmem_shared>> -> memref<103x32xf32, #tpu.memory_space<vmem_shared>>
      tpu.enqueue_indirect_dma source(%dma_start3A_98 : memref<103x32xf32, #tpu.memory_space<vmem_shared>>) target(%dma_start3A_92 : memref<128x32xf32, #tpu.memory_space<vmem>>) offsets(%dma_start3A_95 : memref<128xi32, #tpu.memory_space<vmem>>) semaphore(%arg9 : memref<!tpu.dma_semaphore, #tpu.memory_space<semaphore_mem>>)
      %mul3A_99 = arith.constant 5 : i32
      %mul3A_100 = arith.muli %mul3A_33, %mul3A_99 : i32
      %add3A_101 = arith.constant 4 : i32
      %add3A_102 = arith.addi %mul3A_100, %add3A_101 : i32
      %dma_start3A_103 = arith.constant 4 : i32
      %dma_start3A_104 = arith.constant 0 : i32
      %dma_start3A_105 = arith.constant 0 : i32
      %dma_start3A_106 = tpu.memref_slice %arg6[%dma_start3A_103, %dma_start3A_104, %dma_start3A_105] : memref<5x128x32xf32, #tpu.memory_space<vmem>> -> memref<1x128x32xf32, #tpu.memory_space<vmem>>
      %dma_start3A_107 = tpu.memref_squeeze %dma_start3A_106 : memref<1x128x32xf32, #tpu.memory_space<vmem>> -> memref<128x32xf32, #tpu.memory_space<vmem>>
      %dma_start3A_108 = arith.constant 0 : i32
      %dma_start3A_109 = tpu.memref_slice %arg5[%add3A_102, %dma_start3A_108] : memref<250x128xi32, #tpu.memory_space<vmem>> -> memref<1x128xi32, #tpu.memory_space<vmem>>
      %dma_start3A_110 = tpu.memref_squeeze %dma_start3A_109 : memref<1x128xi32, #tpu.memory_space<vmem>> -> memref<128xi32, #tpu.memory_space<vmem>>
      %dma_start3A_111 = arith.constant 0 : i32
      %dma_start3A_112 = arith.constant 0 : i32
      %dma_start3A_113 = tpu.memref_slice %arg8[%dma_start3A_111, %dma_start3A_112] : memref<103x32xf32, #tpu.memory_space<vmem_shared>> -> memref<103x32xf32, #tpu.memory_space<vmem_shared>>
      tpu.enqueue_indirect_dma source(%dma_start3A_113 : memref<103x32xf32, #tpu.memory_space<vmem_shared>>) target(%dma_start3A_107 : memref<128x32xf32, #tpu.memory_space<vmem>>) offsets(%dma_start3A_110 : memref<128xi32, #tpu.memory_space<vmem>>) semaphore(%arg9 : memref<!tpu.dma_semaphore, #tpu.memory_space<semaphore_mem>>)
      %dma_wait3A_114 = arith.constant 0 : i32
      %dma_wait3A_115 = arith.constant 0 : i32
      %dma_wait3A_116 = arith.constant 0 : i32
      %dma_wait3A_117 = tpu.memref_slice %arg6[%dma_wait3A_114, %dma_wait3A_115, %dma_wait3A_116] : memref<5x128x32xf32, #tpu.memory_space<vmem>> -> memref<1x128x32xf32, #tpu.memory_space<vmem>>
      %dma_wait3A_118 = tpu.memref_squeeze %dma_wait3A_117 : memref<1x128x32xf32, #tpu.memory_space<vmem>> -> memref<128x32xf32, #tpu.memory_space<vmem>>
      %dma_wait3A_119 = arith.constant 0 : i32
      %dma_wait3A_120 = tpu.memref_slice %arg5[%add3A_43, %dma_wait3A_119] : memref<250x128xi32, #tpu.memory_space<vmem>> -> memref<1x128xi32, #tpu.memory_space<vmem>>
      %dma_wait3A_121 = tpu.memref_squeeze %dma_wait3A_120 : memref<1x128xi32, #tpu.memory_space<vmem>> -> memref<128xi32, #tpu.memory_space<vmem>>
      %dma_wait3A_122 = arith.constant 0 : i32
      %dma_wait3A_123 = arith.constant 0 : i32
      %dma_wait3A_124 = tpu.memref_slice %arg8[%dma_wait3A_122, %dma_wait3A_123] : memref<103x32xf32, #tpu.memory_space<vmem_shared>> -> memref<103x32xf32, #tpu.memory_space<vmem_shared>>
      tpu.wait_indirect_dma semaphore(%arg9 : memref<!tpu.dma_semaphore, #tpu.memory_space<semaphore_mem>>) src(%dma_wait3A_124 : memref<103x32xf32, #tpu.memory_space<vmem_shared>>) dst(%dma_wait3A_118 : memref<128x32xf32, #tpu.memory_space<vmem>>)
      %dma_wait3A_125 = arith.constant 1 : i32
      %dma_wait3A_126 = arith.constant 0 : i32
      %dma_wait3A_127 = arith.constant 0 : i32
      %dma_wait3A_128 = tpu.memref_slice %arg6[%dma_wait3A_125, %dma_wait3A_126, %dma_wait3A_127] : memref<5x128x32xf32, #tpu.memory_space<vmem>> -> memref<1x128x32xf32, #tpu.memory_space<vmem>>
      %dma_wait3A_129 = tpu.memref_squeeze %dma_wait3A_128 : memref<1x128x32xf32, #tpu.memory_space<vmem>> -> memref<128x32xf32, #tpu.memory_space<vmem>>
      %dma_wait3A_130 = arith.constant 0 : i32
      %dma_wait3A_131 = tpu.memref_slice %arg5[%add3A_57, %dma_wait3A_130] : memref<250x128xi32, #tpu.memory_space<vmem>> -> memref<1x128xi32, #tpu.memory_space<vmem>>
      %dma_wait3A_132 = tpu.memref_squeeze %dma_wait3A_131 : memref<1x128xi32, #tpu.memory_space<vmem>> -> memref<128xi32, #tpu.memory_space<vmem>>
      %dma_wait3A_133 = arith.constant 0 : i32
      %dma_wait3A_134 = arith.constant 0 : i32
      %dma_wait3A_135 = tpu.memref_slice %arg8[%dma_wait3A_133, %dma_wait3A_134] : memref<103x32xf32, #tpu.memory_space<vmem_shared>> -> memref<103x32xf32, #tpu.memory_space<vmem_shared>>
      tpu.wait_indirect_dma semaphore(%arg9 : memref<!tpu.dma_semaphore, #tpu.memory_space<semaphore_mem>>) src(%dma_wait3A_135 : memref<103x32xf32, #tpu.memory_space<vmem_shared>>) dst(%dma_wait3A_129 : memref<128x32xf32, #tpu.memory_space<vmem>>)
      %dma_wait3A_136 = arith.constant 2 : i32
      %dma_wait3A_137 = arith.constant 0 : i32
      %dma_wait3A_138 = arith.constant 0 : i32
      %dma_wait3A_139 = tpu.memref_slice %arg6[%dma_wait3A_136, %dma_wait3A_137, %dma_wait3A_138] : memref<5x128x32xf32, #tpu.memory_space<vmem>> -> memref<1x128x32xf32, #tpu.memory_space<vmem>>
      %dma_wait3A_140 = tpu.memref_squeeze %dma_wait3A_139 : memref<1x128x32xf32, #tpu.memory_space<vmem>> -> memref<128x32xf32, #tpu.memory_space<vmem>>
      %dma_wait3A_141 = arith.constant 0 : i32
      %dma_wait3A_142 = tpu.memref_slice %arg5[%add3A_72, %dma_wait3A_141] : memref<250x128xi32, #tpu.memory_space<vmem>> -> memref<1x128xi32, #tpu.memory_space<vmem>>
      %dma_wait3A_143 = tpu.memref_squeeze %dma_wait3A_142 : memref<1x128xi32, #tpu.memory_space<vmem>> -> memref<128xi32, #tpu.memory_space<vmem>>
      %dma_wait3A_144 = arith.constant 0 : i32
      %dma_wait3A_145 = arith.constant 0 : i32
      %dma_wait3A_146 = tpu.memref_slice %arg8[%dma_wait3A_144, %dma_wait3A_145] : memref<103x32xf32, #tpu.memory_space<vmem_shared>> -> memref<103x32xf32, #tpu.memory_space<vmem_shared>>
      tpu.wait_indirect_dma semaphore(%arg9 : memref<!tpu.dma_semaphore, #tpu.memory_space<semaphore_mem>>) src(%dma_wait3A_146 : memref<103x32xf32, #tpu.memory_space<vmem_shared>>) dst(%dma_wait3A_140 : memref<128x32xf32, #tpu.memory_space<vmem>>)
      %dma_wait3A_147 = arith.constant 3 : i32
      %dma_wait3A_148 = arith.constant 0 : i32
      %dma_wait3A_149 = arith.constant 0 : i32
      %dma_wait3A_150 = tpu.memref_slice %arg6[%dma_wait3A_147, %dma_wait3A_148, %dma_wait3A_149] : memref<5x128x32xf32, #tpu.memory_space<vmem>> -> memref<1x128x32xf32, #tpu.memory_space<vmem>>
      %dma_wait3A_151 = tpu.memref_squeeze %dma_wait3A_150 : memref<1x128x32xf32, #tpu.memory_space<vmem>> -> memref<128x32xf32, #tpu.memory_space<vmem>>
      %dma_wait3A_152 = arith.constant 0 : i32
      %dma_wait3A_153 = tpu.memref_slice %arg5[%add3A_87, %dma_wait3A_152] : memref<250x128xi32, #tpu.memory_space<vmem>> -> memref<1x128xi32, #tpu.memory_space<vmem>>
      %dma_wait3A_154 = tpu.memref_squeeze %dma_wait3A_153 : memref<1x128xi32, #tpu.memory_space<vmem>> -> memref<128xi32, #tpu.memory_space<vmem>>
      %dma_wait3A_155 = arith.constant 0 : i32
      %dma_wait3A_156 = arith.constant 0 : i32
      %dma_wait3A_157 = tpu.memref_slice %arg8[%dma_wait3A_155, %dma_wait3A_156] : memref<103x32xf32, #tpu.memory_space<vmem_shared>> -> memref<103x32xf32, #tpu.memory_space<vmem_shared>>
      tpu.wait_indirect_dma semaphore(%arg9 : memref<!tpu.dma_semaphore, #tpu.memory_space<semaphore_mem>>) src(%dma_wait3A_157 : memref<103x32xf32, #tpu.memory_space<vmem_shared>>) dst(%dma_wait3A_151 : memref<128x32xf32, #tpu.memory_space<vmem>>)
      %dma_wait3A_158 = arith.constant 4 : i32
      %dma_wait3A_159 = arith.constant 0 : i32
      %dma_wait3A_160 = arith.constant 0 : i32
      %dma_wait3A_161 = tpu.memref_slice %arg6[%dma_wait3A_158, %dma_wait3A_159, %dma_wait3A_160] : memref<5x128x32xf32, #tpu.memory_space<vmem>> -> memref<1x128x32xf32, #tpu.memory_space<vmem>>
      %dma_wait3A_162 = tpu.memref_squeeze %dma_wait3A_161 : memref<1x128x32xf32, #tpu.memory_space<vmem>> -> memref<128x32xf32, #tpu.memory_space<vmem>>
      %dma_wait3A_163 = arith.constant 0 : i32
      %dma_wait3A_164 = tpu.memref_slice %arg5[%add3A_102, %dma_wait3A_163] : memref<250x128xi32, #tpu.memory_space<vmem>> -> memref<1x128xi32, #tpu.memory_space<vmem>>
      %dma_wait3A_165 = tpu.memref_squeeze %dma_wait3A_164 : memref<1x128xi32, #tpu.memory_space<vmem>> -> memref<128xi32, #tpu.memory_space<vmem>>
      %dma_wait3A_166 = arith.constant 0 : i32
      %dma_wait3A_167 = arith.constant 0 : i32
      %dma_wait3A_168 = tpu.memref_slice %arg8[%dma_wait3A_166, %dma_wait3A_167] : memref<103x32xf32, #tpu.memory_space<vmem_shared>> -> memref<103x32xf32, #tpu.memory_space<vmem_shared>>
      tpu.wait_indirect_dma semaphore(%arg9 : memref<!tpu.dma_semaphore, #tpu.memory_space<semaphore_mem>>) src(%dma_wait3A_168 : memref<103x32xf32, #tpu.memory_space<vmem_shared>>) dst(%dma_wait3A_162 : memref<128x32xf32, #tpu.memory_space<vmem>>)
      %add3A_169 = arith.addi %mul3A_2, %mul3A_33 : i32
      %dma_start3A_170 = arith.constant 0 : i32
      %dma_start3A_171 = arith.constant 0 : i32
      %dma_start3A_172 = arith.constant 0 : i32
      %dma_start3A_173 = tpu.memref_slice %arg4[%add3A_169, %dma_start3A_170, %dma_start3A_171, %dma_start3A_172] : memref<1600x5x128x32xf32, #tpu.memory_space<hbm>> -> memref<1x5x128x32xf32, #tpu.memory_space<hbm>>
      %dma_start3A_174 = tpu.memref_squeeze %dma_start3A_173 : memref<1x5x128x32xf32, #tpu.memory_space<hbm>> -> memref<5x128x32xf32, #tpu.memory_space<hbm>>
      %dma_start3A_175 = arith.constant 0 : i32
      %dma_start3A_176 = arith.constant 0 : i32
      %dma_start3A_177 = arith.constant 0 : i32
      %dma_start3A_178 = tpu.memref_slice %arg4[%add3A_169, %dma_start3A_175, %dma_start3A_176, %dma_start3A_177] : memref<1600x5x128x32xf32, #tpu.memory_space<hbm>> -> memref<1x5x128x32xf32, #tpu.memory_space<hbm>>
      %dma_start3A_179 = tpu.memref_squeeze %dma_start3A_178 : memref<1x5x128x32xf32, #tpu.memory_space<hbm>> -> memref<5x128x32xf32, #tpu.memory_space<hbm>>
      tpu.enqueue_dma source(%arg6 : memref<5x128x32xf32, #tpu.memory_space<vmem>>) target(%dma_start3A_179 : memref<5x128x32xf32, #tpu.memory_space<hbm>>) target_semaphore(%arg10 : memref<!tpu.dma_semaphore, #tpu.memory_space<semaphore_mem>>)
      %mul3A_180 = arith.constant 2 : i32
      %mul3A_181 = arith.muli %mul3A_180, %scan3A_31 : i32
      %add3A_182 = arith.constant 1 : i32
      %add3A_183 = arith.addi %mul3A_181, %add3A_182 : i32
      %eq3A_184 = arith.constant 0 : i32
      %eq3A_185 = arith.cmpi eq, %scan3A_31, %eq3A_184 : i32
      %not3A_186 = arith.constant true
      %not3A_187 = arith.xori %eq3A_185, %not3A_186 : i1
      %convert_element_type3A_188 = arith.extui %not3A_187 : i1 to i32
      %cond3A_189 = arith.constant 0 : i32
      %cond3A_190 = arith.cmpi ne, %convert_element_type3A_188, %cond3A_189 : i32
      scf.if %cond3A_190 {
        %dma_wait3A_332 = arith.constant 0 : i32
        %dma_wait3A_333 = arith.constant 0 : i32
        %dma_wait3A_334 = arith.constant 0 : i32
        %dma_wait3A_335 = tpu.memref_slice %arg4[%mul3A_2, %dma_wait3A_332, %dma_wait3A_333, %dma_wait3A_334] : memref<1600x5x128x32xf32, #tpu.memory_space<hbm>> -> memref<1x5x128x32xf32, #tpu.memory_space<hbm>>
        %dma_wait3A_336 = tpu.memref_squeeze %dma_wait3A_335 : memref<1x5x128x32xf32, #tpu.memory_space<hbm>> -> memref<5x128x32xf32, #tpu.memory_space<hbm>>
        %dma_wait3A_337 = arith.constant 0 : i32
        %dma_wait3A_338 = arith.constant 0 : i32
        %dma_wait3A_339 = arith.constant 0 : i32
        %dma_wait3A_340 = tpu.memref_slice %arg4[%mul3A_2, %dma_wait3A_337, %dma_wait3A_338, %dma_wait3A_339] : memref<1600x5x128x32xf32, #tpu.memory_space<hbm>> -> memref<1x5x128x32xf32, #tpu.memory_space<hbm>>
        %dma_wait3A_341 = tpu.memref_squeeze %dma_wait3A_340 : memref<1x5x128x32xf32, #tpu.memory_space<hbm>> -> memref<5x128x32xf32, #tpu.memory_space<hbm>>
        tpu.wait_dma2 semaphore(%arg11 : memref<!tpu.dma_semaphore, #tpu.memory_space<semaphore_mem>>) src(%arg7 : memref<5x128x32xf32, #tpu.memory_space<vmem>>) dst(%dma_wait3A_341 : memref<5x128x32xf32, #tpu.memory_space<hbm>>)
      } else {
      }
      %mul3A_191 = arith.constant 5 : i32
      %mul3A_192 = arith.muli %add3A_183, %mul3A_191 : i32
      %add3A_193 = arith.constant 0 : i32
      %add3A_194 = arith.addi %mul3A_192, %add3A_193 : i32
      %dma_start3A_195 = arith.constant 0 : i32
      %dma_start3A_196 = arith.constant 0 : i32
      %dma_start3A_197 = arith.constant 0 : i32
      %dma_start3A_198 = tpu.memref_slice %arg7[%dma_start3A_195, %dma_start3A_196, %dma_start3A_197] : memref<5x128x32xf32, #tpu.memory_space<vmem>> -> memref<1x128x32xf32, #tpu.memory_space<vmem>>
      %dma_start3A_199 = tpu.memref_squeeze %dma_start3A_198 : memref<1x128x32xf32, #tpu.memory_space<vmem>> -> memref<128x32xf32, #tpu.memory_space<vmem>>
      %dma_start3A_200 = arith.constant 0 : i32
      %dma_start3A_201 = tpu.memref_slice %arg5[%add3A_194, %dma_start3A_200] : memref<250x128xi32, #tpu.memory_space<vmem>> -> memref<1x128xi32, #tpu.memory_space<vmem>>
      %dma_start3A_202 = tpu.memref_squeeze %dma_start3A_201 : memref<1x128xi32, #tpu.memory_space<vmem>> -> memref<128xi32, #tpu.memory_space<vmem>>
      %dma_start3A_203 = arith.constant 0 : i32
      %dma_start3A_204 = arith.constant 0 : i32
      %dma_start3A_205 = tpu.memref_slice %arg8[%dma_start3A_203, %dma_start3A_204] : memref<103x32xf32, #tpu.memory_space<vmem_shared>> -> memref<103x32xf32, #tpu.memory_space<vmem_shared>>
      tpu.enqueue_indirect_dma source(%dma_start3A_205 : memref<103x32xf32, #tpu.memory_space<vmem_shared>>) target(%dma_start3A_199 : memref<128x32xf32, #tpu.memory_space<vmem>>) offsets(%dma_start3A_202 : memref<128xi32, #tpu.memory_space<vmem>>) semaphore(%arg9 : memref<!tpu.dma_semaphore, #tpu.memory_space<semaphore_mem>>)
      %mul3A_206 = arith.constant 5 : i32
      %mul3A_207 = arith.muli %add3A_183, %mul3A_206 : i32
      %add3A_208 = arith.constant 1 : i32
      %add3A_209 = arith.addi %mul3A_207, %add3A_208 : i32
      %dma_start3A_210 = arith.constant 1 : i32
      %dma_start3A_211 = arith.constant 0 : i32
      %dma_start3A_212 = arith.constant 0 : i32
      %dma_start3A_213 = tpu.memref_slice %arg7[%dma_start3A_210, %dma_start3A_211, %dma_start3A_212] : memref<5x128x32xf32, #tpu.memory_space<vmem>> -> memref<1x128x32xf32, #tpu.memory_space<vmem>>
      %dma_start3A_214 = tpu.memref_squeeze %dma_start3A_213 : memref<1x128x32xf32, #tpu.memory_space<vmem>> -> memref<128x32xf32, #tpu.memory_space<vmem>>
      %dma_start3A_215 = arith.constant 0 : i32
      %dma_start3A_216 = tpu.memref_slice %arg5[%add3A_209, %dma_start3A_215] : memref<250x128xi32, #tpu.memory_space<vmem>> -> memref<1x128xi32, #tpu.memory_space<vmem>>
      %dma_start3A_217 = tpu.memref_squeeze %dma_start3A_216 : memref<1x128xi32, #tpu.memory_space<vmem>> -> memref<128xi32, #tpu.memory_space<vmem>>
      %dma_start3A_218 = arith.constant 0 : i32
      %dma_start3A_219 = arith.constant 0 : i32
      %dma_start3A_220 = tpu.memref_slice %arg8[%dma_start3A_218, %dma_start3A_219] : memref<103x32xf32, #tpu.memory_space<vmem_shared>> -> memref<103x32xf32, #tpu.memory_space<vmem_shared>>
      tpu.enqueue_indirect_dma source(%dma_start3A_220 : memref<103x32xf32, #tpu.memory_space<vmem_shared>>) target(%dma_start3A_214 : memref<128x32xf32, #tpu.memory_space<vmem>>) offsets(%dma_start3A_217 : memref<128xi32, #tpu.memory_space<vmem>>) semaphore(%arg9 : memref<!tpu.dma_semaphore, #tpu.memory_space<semaphore_mem>>)
      %mul3A_221 = arith.constant 5 : i32
      %mul3A_222 = arith.muli %add3A_183, %mul3A_221 : i32
      %add3A_223 = arith.constant 2 : i32
      %add3A_224 = arith.addi %mul3A_222, %add3A_223 : i32
      %dma_start3A_225 = arith.constant 2 : i32
      %dma_start3A_226 = arith.constant 0 : i32
      %dma_start3A_227 = arith.constant 0 : i32
      %dma_start3A_228 = tpu.memref_slice %arg7[%dma_start3A_225, %dma_start3A_226, %dma_start3A_227] : memref<5x128x32xf32, #tpu.memory_space<vmem>> -> memref<1x128x32xf32, #tpu.memory_space<vmem>>
      %dma_start3A_229 = tpu.memref_squeeze %dma_start3A_228 : memref<1x128x32xf32, #tpu.memory_space<vmem>> -> memref<128x32xf32, #tpu.memory_space<vmem>>
      %dma_start3A_230 = arith.constant 0 : i32
      %dma_start3A_231 = tpu.memref_slice %arg5[%add3A_224, %dma_start3A_230] : memref<250x128xi32, #tpu.memory_space<vmem>> -> memref<1x128xi32, #tpu.memory_space<vmem>>
      %dma_start3A_232 = tpu.memref_squeeze %dma_start3A_231 : memref<1x128xi32, #tpu.memory_space<vmem>> -> memref<128xi32, #tpu.memory_space<vmem>>
      %dma_start3A_233 = arith.constant 0 : i32
      %dma_start3A_234 = arith.constant 0 : i32
      %dma_start3A_235 = tpu.memref_slice %arg8[%dma_start3A_233, %dma_start3A_234] : memref<103x32xf32, #tpu.memory_space<vmem_shared>> -> memref<103x32xf32, #tpu.memory_space<vmem_shared>>
      tpu.enqueue_indirect_dma source(%dma_start3A_235 : memref<103x32xf32, #tpu.memory_space<vmem_shared>>) target(%dma_start3A_229 : memref<128x32xf32, #tpu.memory_space<vmem>>) offsets(%dma_start3A_232 : memref<128xi32, #tpu.memory_space<vmem>>) semaphore(%arg9 : memref<!tpu.dma_semaphore, #tpu.memory_space<semaphore_mem>>)
      %mul3A_236 = arith.constant 5 : i32
      %mul3A_237 = arith.muli %add3A_183, %mul3A_236 : i32
      %add3A_238 = arith.constant 3 : i32
      %add3A_239 = arith.addi %mul3A_237, %add3A_238 : i32
      %dma_start3A_240 = arith.constant 3 : i32
      %dma_start3A_241 = arith.constant 0 : i32
      %dma_start3A_242 = arith.constant 0 : i32
      %dma_start3A_243 = tpu.memref_slice %arg7[%dma_start3A_240, %dma_start3A_241, %dma_start3A_242] : memref<5x128x32xf32, #tpu.memory_space<vmem>> -> memref<1x128x32xf32, #tpu.memory_space<vmem>>
      %dma_start3A_244 = tpu.memref_squeeze %dma_start3A_243 : memref<1x128x32xf32, #tpu.memory_space<vmem>> -> memref<128x32xf32, #tpu.memory_space<vmem>>
      %dma_start3A_245 = arith.constant 0 : i32
      %dma_start3A_246 = tpu.memref_slice %arg5[%add3A_239, %dma_start3A_245] : memref<250x128xi32, #tpu.memory_space<vmem>> -> memref<1x128xi32, #tpu.memory_space<vmem>>
      %dma_start3A_247 = tpu.memref_squeeze %dma_start3A_246 : memref<1x128xi32, #tpu.memory_space<vmem>> -> memref<128xi32, #tpu.memory_space<vmem>>
      %dma_start3A_248 = arith.constant 0 : i32
      %dma_start3A_249 = arith.constant 0 : i32
      %dma_start3A_250 = tpu.memref_slice %arg8[%dma_start3A_248, %dma_start3A_249] : memref<103x32xf32, #tpu.memory_space<vmem_shared>> -> memref<103x32xf32, #tpu.memory_space<vmem_shared>>
      tpu.enqueue_indirect_dma source(%dma_start3A_250 : memref<103x32xf32, #tpu.memory_space<vmem_shared>>) target(%dma_start3A_244 : memref<128x32xf32, #tpu.memory_space<vmem>>) offsets(%dma_start3A_247 : memref<128xi32, #tpu.memory_space<vmem>>) semaphore(%arg9 : memref<!tpu.dma_semaphore, #tpu.memory_space<semaphore_mem>>)
      %mul3A_251 = arith.constant 5 : i32
      %mul3A_252 = arith.muli %add3A_183, %mul3A_251 : i32
      %add3A_253 = arith.constant 4 : i32
      %add3A_254 = arith.addi %mul3A_252, %add3A_253 : i32
      %dma_start3A_255 = arith.constant 4 : i32
      %dma_start3A_256 = arith.constant 0 : i32
      %dma_start3A_257 = arith.constant 0 : i32
      %dma_start3A_258 = tpu.memref_slice %arg7[%dma_start3A_255, %dma_start3A_256, %dma_start3A_257] : memref<5x128x32xf32, #tpu.memory_space<vmem>> -> memref<1x128x32xf32, #tpu.memory_space<vmem>>
      %dma_start3A_259 = tpu.memref_squeeze %dma_start3A_258 : memref<1x128x32xf32, #tpu.memory_space<vmem>> -> memref<128x32xf32, #tpu.memory_space<vmem>>
      %dma_start3A_260 = arith.constant 0 : i32
      %dma_start3A_261 = tpu.memref_slice %arg5[%add3A_254, %dma_start3A_260] : memref<250x128xi32, #tpu.memory_space<vmem>> -> memref<1x128xi32, #tpu.memory_space<vmem>>
      %dma_start3A_262 = tpu.memref_squeeze %dma_start3A_261 : memref<1x128xi32, #tpu.memory_space<vmem>> -> memref<128xi32, #tpu.memory_space<vmem>>
      %dma_start3A_263 = arith.constant 0 : i32
      %dma_start3A_264 = arith.constant 0 : i32
      %dma_start3A_265 = tpu.memref_slice %arg8[%dma_start3A_263, %dma_start3A_264] : memref<103x32xf32, #tpu.memory_space<vmem_shared>> -> memref<103x32xf32, #tpu.memory_space<vmem_shared>>
      tpu.enqueue_indirect_dma source(%dma_start3A_265 : memref<103x32xf32, #tpu.memory_space<vmem_shared>>) target(%dma_start3A_259 : memref<128x32xf32, #tpu.memory_space<vmem>>) offsets(%dma_start3A_262 : memref<128xi32, #tpu.memory_space<vmem>>) semaphore(%arg9 : memref<!tpu.dma_semaphore, #tpu.memory_space<semaphore_mem>>)
      %dma_wait3A_266 = arith.constant 0 : i32
      %dma_wait3A_267 = arith.constant 0 : i32
      %dma_wait3A_268 = arith.constant 0 : i32
      %dma_wait3A_269 = tpu.memref_slice %arg7[%dma_wait3A_266, %dma_wait3A_267, %dma_wait3A_268] : memref<5x128x32xf32, #tpu.memory_space<vmem>> -> memref<1x128x32xf32, #tpu.memory_space<vmem>>
      %dma_wait3A_270 = tpu.memref_squeeze %dma_wait3A_269 : memref<1x128x32xf32, #tpu.memory_space<vmem>> -> memref<128x32xf32, #tpu.memory_space<vmem>>
      %dma_wait3A_271 = arith.constant 0 : i32
      %dma_wait3A_272 = tpu.memref_slice %arg5[%add3A_194, %dma_wait3A_271] : memref<250x128xi32, #tpu.memory_space<vmem>> -> memref<1x128xi32, #tpu.memory_space<vmem>>
      %dma_wait3A_273 = tpu.memref_squeeze %dma_wait3A_272 : memref<1x128xi32, #tpu.memory_space<vmem>> -> memref<128xi32, #tpu.memory_space<vmem>>
      %dma_wait3A_274 = arith.constant 0 : i32
      %dma_wait3A_275 = arith.constant 0 : i32
      %dma_wait3A_276 = tpu.memref_slice %arg8[%dma_wait3A_274, %dma_wait3A_275] : memref<103x32xf32, #tpu.memory_space<vmem_shared>> -> memref<103x32xf32, #tpu.memory_space<vmem_shared>>
      tpu.wait_indirect_dma semaphore(%arg9 : memref<!tpu.dma_semaphore, #tpu.memory_space<semaphore_mem>>) src(%dma_wait3A_276 : memref<103x32xf32, #tpu.memory_space<vmem_shared>>) dst(%dma_wait3A_270 : memref<128x32xf32, #tpu.memory_space<vmem>>)
      %dma_wait3A_277 = arith.constant 1 : i32
      %dma_wait3A_278 = arith.constant 0 : i32
      %dma_wait3A_279 = arith.constant 0 : i32
      %dma_wait3A_280 = tpu.memref_slice %arg7[%dma_wait3A_277, %dma_wait3A_278, %dma_wait3A_279] : memref<5x128x32xf32, #tpu.memory_space<vmem>> -> memref<1x128x32xf32, #tpu.memory_space<vmem>>
      %dma_wait3A_281 = tpu.memref_squeeze %dma_wait3A_280 : memref<1x128x32xf32, #tpu.memory_space<vmem>> -> memref<128x32xf32, #tpu.memory_space<vmem>>
      %dma_wait3A_282 = arith.constant 0 : i32
      %dma_wait3A_283 = tpu.memref_slice %arg5[%add3A_209, %dma_wait3A_282] : memref<250x128xi32, #tpu.memory_space<vmem>> -> memref<1x128xi32, #tpu.memory_space<vmem>>
      %dma_wait3A_284 = tpu.memref_squeeze %dma_wait3A_283 : memref<1x128xi32, #tpu.memory_space<vmem>> -> memref<128xi32, #tpu.memory_space<vmem>>
      %dma_wait3A_285 = arith.constant 0 : i32
      %dma_wait3A_286 = arith.constant 0 : i32
      %dma_wait3A_287 = tpu.memref_slice %arg8[%dma_wait3A_285, %dma_wait3A_286] : memref<103x32xf32, #tpu.memory_space<vmem_shared>> -> memref<103x32xf32, #tpu.memory_space<vmem_shared>>
      tpu.wait_indirect_dma semaphore(%arg9 : memref<!tpu.dma_semaphore, #tpu.memory_space<semaphore_mem>>) src(%dma_wait3A_287 : memref<103x32xf32, #tpu.memory_space<vmem_shared>>) dst(%dma_wait3A_281 : memref<128x32xf32, #tpu.memory_space<vmem>>)
      %dma_wait3A_288 = arith.constant 2 : i32
      %dma_wait3A_289 = arith.constant 0 : i32
      %dma_wait3A_290 = arith.constant 0 : i32
      %dma_wait3A_291 = tpu.memref_slice %arg7[%dma_wait3A_288, %dma_wait3A_289, %dma_wait3A_290] : memref<5x128x32xf32, #tpu.memory_space<vmem>> -> memref<1x128x32xf32, #tpu.memory_space<vmem>>
      %dma_wait3A_292 = tpu.memref_squeeze %dma_wait3A_291 : memref<1x128x32xf32, #tpu.memory_space<vmem>> -> memref<128x32xf32, #tpu.memory_space<vmem>>
      %dma_wait3A_293 = arith.constant 0 : i32
      %dma_wait3A_294 = tpu.memref_slice %arg5[%add3A_224, %dma_wait3A_293] : memref<250x128xi32, #tpu.memory_space<vmem>> -> memref<1x128xi32, #tpu.memory_space<vmem>>
      %dma_wait3A_295 = tpu.memref_squeeze %dma_wait3A_294 : memref<1x128xi32, #tpu.memory_space<vmem>> -> memref<128xi32, #tpu.memory_space<vmem>>
      %dma_wait3A_296 = arith.constant 0 : i32
      %dma_wait3A_297 = arith.constant 0 : i32
      %dma_wait3A_298 = tpu.memref_slice %arg8[%dma_wait3A_296, %dma_wait3A_297] : memref<103x32xf32, #tpu.memory_space<vmem_shared>> -> memref<103x32xf32, #tpu.memory_space<vmem_shared>>
      tpu.wait_indirect_dma semaphore(%arg9 : memref<!tpu.dma_semaphore, #tpu.memory_space<semaphore_mem>>) src(%dma_wait3A_298 : memref<103x32xf32, #tpu.memory_space<vmem_shared>>) dst(%dma_wait3A_292 : memref<128x32xf32, #tpu.memory_space<vmem>>)
      %dma_wait3A_299 = arith.constant 3 : i32
      %dma_wait3A_300 = arith.constant 0 : i32
      %dma_wait3A_301 = arith.constant 0 : i32
      %dma_wait3A_302 = tpu.memref_slice %arg7[%dma_wait3A_299, %dma_wait3A_300, %dma_wait3A_301] : memref<5x128x32xf32, #tpu.memory_space<vmem>> -> memref<1x128x32xf32, #tpu.memory_space<vmem>>
      %dma_wait3A_303 = tpu.memref_squeeze %dma_wait3A_302 : memref<1x128x32xf32, #tpu.memory_space<vmem>> -> memref<128x32xf32, #tpu.memory_space<vmem>>
      %dma_wait3A_304 = arith.constant 0 : i32
      %dma_wait3A_305 = tpu.memref_slice %arg5[%add3A_239, %dma_wait3A_304] : memref<250x128xi32, #tpu.memory_space<vmem>> -> memref<1x128xi32, #tpu.memory_space<vmem>>
      %dma_wait3A_306 = tpu.memref_squeeze %dma_wait3A_305 : memref<1x128xi32, #tpu.memory_space<vmem>> -> memref<128xi32, #tpu.memory_space<vmem>>
      %dma_wait3A_307 = arith.constant 0 : i32
      %dma_wait3A_308 = arith.constant 0 : i32
      %dma_wait3A_309 = tpu.memref_slice %arg8[%dma_wait3A_307, %dma_wait3A_308] : memref<103x32xf32, #tpu.memory_space<vmem_shared>> -> memref<103x32xf32, #tpu.memory_space<vmem_shared>>
      tpu.wait_indirect_dma semaphore(%arg9 : memref<!tpu.dma_semaphore, #tpu.memory_space<semaphore_mem>>) src(%dma_wait3A_309 : memref<103x32xf32, #tpu.memory_space<vmem_shared>>) dst(%dma_wait3A_303 : memref<128x32xf32, #tpu.memory_space<vmem>>)
      %dma_wait3A_310 = arith.constant 4 : i32
      %dma_wait3A_311 = arith.constant 0 : i32
      %dma_wait3A_312 = arith.constant 0 : i32
      %dma_wait3A_313 = tpu.memref_slice %arg7[%dma_wait3A_310, %dma_wait3A_311, %dma_wait3A_312] : memref<5x128x32xf32, #tpu.memory_space<vmem>> -> memref<1x128x32xf32, #tpu.memory_space<vmem>>
      %dma_wait3A_314 = tpu.memref_squeeze %dma_wait3A_313 : memref<1x128x32xf32, #tpu.memory_space<vmem>> -> memref<128x32xf32, #tpu.memory_space<vmem>>
      %dma_wait3A_315 = arith.constant 0 : i32
      %dma_wait3A_316 = tpu.memref_slice %arg5[%add3A_254, %dma_wait3A_315] : memref<250x128xi32, #tpu.memory_space<vmem>> -> memref<1x128xi32, #tpu.memory_space<vmem>>
      %dma_wait3A_317 = tpu.memref_squeeze %dma_wait3A_316 : memref<1x128xi32, #tpu.memory_space<vmem>> -> memref<128xi32, #tpu.memory_space<vmem>>
      %dma_wait3A_318 = arith.constant 0 : i32
      %dma_wait3A_319 = arith.constant 0 : i32
      %dma_wait3A_320 = tpu.memref_slice %arg8[%dma_wait3A_318, %dma_wait3A_319] : memref<103x32xf32, #tpu.memory_space<vmem_shared>> -> memref<103x32xf32, #tpu.memory_space<vmem_shared>>
      tpu.wait_indirect_dma semaphore(%arg9 : memref<!tpu.dma_semaphore, #tpu.memory_space<semaphore_mem>>) src(%dma_wait3A_320 : memref<103x32xf32, #tpu.memory_space<vmem_shared>>) dst(%dma_wait3A_314 : memref<128x32xf32, #tpu.memory_space<vmem>>)
      %add3A_321 = arith.addi %mul3A_2, %add3A_183 : i32
      %dma_start3A_322 = arith.constant 0 : i32
      %dma_start3A_323 = arith.constant 0 : i32
      %dma_start3A_324 = arith.constant 0 : i32
      %dma_start3A_325 = tpu.memref_slice %arg4[%add3A_321, %dma_start3A_322, %dma_start3A_323, %dma_start3A_324] : memref<1600x5x128x32xf32, #tpu.memory_space<hbm>> -> memref<1x5x128x32xf32, #tpu.memory_space<hbm>>
      %dma_start3A_326 = tpu.memref_squeeze %dma_start3A_325 : memref<1x5x128x32xf32, #tpu.memory_space<hbm>> -> memref<5x128x32xf32, #tpu.memory_space<hbm>>
      %dma_start3A_327 = arith.constant 0 : i32
      %dma_start3A_328 = arith.constant 0 : i32
      %dma_start3A_329 = arith.constant 0 : i32
      %dma_start3A_330 = tpu.memref_slice %arg4[%add3A_321, %dma_start3A_327, %dma_start3A_328, %dma_start3A_329] : memref<1600x5x128x32xf32, #tpu.memory_space<hbm>> -> memref<1x5x128x32xf32, #tpu.memory_space<hbm>>
      %dma_start3A_331 = tpu.memref_squeeze %dma_start3A_330 : memref<1x5x128x32xf32, #tpu.memory_space<hbm>> -> memref<5x128x32xf32, #tpu.memory_space<hbm>>
      tpu.enqueue_dma source(%arg7 : memref<5x128x32xf32, #tpu.memory_space<vmem>>) target(%dma_start3A_331 : memref<5x128x32xf32, #tpu.memory_space<hbm>>) target_semaphore(%arg11 : memref<!tpu.dma_semaphore, #tpu.memory_space<semaphore_mem>>)
    }
    %scan3A_11 = arith.constant 25 : i32
    %dma_wait3A = arith.constant 0 : i32
    %dma_wait3A_12 = arith.constant 0 : i32
    %dma_wait3A_13 = arith.constant 0 : i32
    %dma_wait3A_14 = tpu.memref_slice %arg4[%mul3A_2, %dma_wait3A, %dma_wait3A_12, %dma_wait3A_13] : memref<1600x5x128x32xf32, #tpu.memory_space<hbm>> -> memref<1x5x128x32xf32, #tpu.memory_space<hbm>>
    %dma_wait3A_15 = tpu.memref_squeeze %dma_wait3A_14 : memref<1x5x128x32xf32, #tpu.memory_space<hbm>> -> memref<5x128x32xf32, #tpu.memory_space<hbm>>
    %dma_wait3A_16 = arith.constant 0 : i32
    %dma_wait3A_17 = arith.constant 0 : i32
    %dma_wait3A_18 = arith.constant 0 : i32
    %dma_wait3A_19 = tpu.memref_slice %arg4[%mul3A_2, %dma_wait3A_16, %dma_wait3A_17, %dma_wait3A_18] : memref<1600x5x128x32xf32, #tpu.memory_space<hbm>> -> memref<1x5x128x32xf32, #tpu.memory_space<hbm>>
    %dma_wait3A_20 = tpu.memref_squeeze %dma_wait3A_19 : memref<1x5x128x32xf32, #tpu.memory_space<hbm>> -> memref<5x128x32xf32, #tpu.memory_space<hbm>>
    tpu.wait_dma2 semaphore(%arg10 : memref<!tpu.dma_semaphore, #tpu.memory_space<semaphore_mem>>) src(%arg6 : memref<5x128x32xf32, #tpu.memory_space<vmem>>) dst(%dma_wait3A_20 : memref<5x128x32xf32, #tpu.memory_space<hbm>>)
    %dma_wait3A_21 = arith.constant 0 : i32
    %dma_wait3A_22 = arith.constant 0 : i32
    %dma_wait3A_23 = arith.constant 0 : i32
    %dma_wait3A_24 = tpu.memref_slice %arg4[%mul3A_2, %dma_wait3A_21, %dma_wait3A_22, %dma_wait3A_23] : memref<1600x5x128x32xf32, #tpu.memory_space<hbm>> -> memref<1x5x128x32xf32, #tpu.memory_space<hbm>>
    %dma_wait3A_25 = tpu.memref_squeeze %dma_wait3A_24 : memref<1x5x128x32xf32, #tpu.memory_space<hbm>> -> memref<5x128x32xf32, #tpu.memory_space<hbm>>
    %dma_wait3A_26 = arith.constant 0 : i32
    %dma_wait3A_27 = arith.constant 0 : i32
    %dma_wait3A_28 = arith.constant 0 : i32
    %dma_wait3A_29 = tpu.memref_slice %arg4[%mul3A_2, %dma_wait3A_26, %dma_wait3A_27, %dma_wait3A_28] : memref<1600x5x128x32xf32, #tpu.memory_space<hbm>> -> memref<1x5x128x32xf32, #tpu.memory_space<hbm>>
    %dma_wait3A_30 = tpu.memref_squeeze %dma_wait3A_29 : memref<1x5x128x32xf32, #tpu.memory_space<hbm>> -> memref<5x128x32xf32, #tpu.memory_space<hbm>>
    tpu.wait_dma2 semaphore(%arg11 : memref<!tpu.dma_semaphore, #tpu.memory_space<semaphore_mem>>) src(%arg7 : memref<5x128x32xf32, #tpu.memory_space<vmem>>) dst(%dma_wait3A_30 : memref<5x128x32xf32, #tpu.memory_space<hbm>>)
    return
  }
}

</mosaic_0001>

<sc_bundles>
// kernel: _gather_rows.3.cloned.1.call-start
scs
__scs_entry_jumppad:
0x0: {  	(pc) =	sbr.rel $0x88, $3  }
0x1: {  	(tag) =	ssettag $0x0;
	lr =	simm.s32 $0x1  }
0x2: {  	[smem:$0x3F9F] =	sst lr;
	_ =	strace $0xD0000000  }
0x3: {  	_ = 	snop  }
0x4: {  	_ = 	snop  }
0x5: {  	_ = 	snop  }
0x6: {  	_ = 	snop  }
0x7: {  	_ = 	snop  }
__scs_overlays_trampoline_lowered:
0x8: {  	[smem:$0x3FAE] =	sst s0  }
0x9: {  	[smem:$0x3FAF] =	sst s1  }
0xa: {  	[smem:$0x3FB0] =	sst s2  }
0xb: {  	[smem:$0x3FB1] =	sst s3  }
0xc: {  	[smem:$0x3FB2] =	sst s4  }
0xd: {  	[smem:$0x3FB3] =	sst s5  }
0xe: {  	[smem:$0x3FB4] =	sst s6  }
0xf: {  	[smem:$0x3FB5] =	sst s7  }
0x10: {  	[smem:$0x3FB6] =	sst s8  }
0x11: {  	[smem:$0x3FB7] =	sst s9;
	s0 =	simm.s32 @!p0 $0x0  }
0x12: {  	s1 =	sld [smem:$0x3F9D];
	s0 =	simm.s32 @p0 $0x1  }
0x13: {  	[smem:$0x3FB8] =	sst s0;
	s0 =	simm.s32 @!p1 $0x0  }
0x14: {  	s2 =	sld [smem:$0x3F9C];
	s0 =	simm.s32 @p1 $0x1  }
0x15: {  	[smem:$0x3FB9] =	sst s0;
	s0 =	simm.s32 @!p2 $0x0  }
0x16: {  	s3 =	sld [smem:$0x3FDB];
	s0 =	simm.s32 @p2 $0x1  }
0x17: {  	s4 =	simm.s32 $0x1BF5;
	[smem:$0x3FBB] =	sst s0  }
0x18: {  	s0 =	sld [smem:$0x3F9E];
	_ =	swait.ge [sflag:s4], $0x0  }
0x19: {  	s7 =	sld [smem:$0x3F9F]  }
0x1a: {  	s8 =	sadd.s32 $0xFFFFE003, lr  }
0x1b: {  	s9 =	sadd.s32 $0xFFFFFEF7, lr;
	s5 =	simm.s32 $0xFFFFFFFF;
	p2 =	slt.u32 s8, $0xFFFFF086  }
0x1c: {  	p1 =	slt.u32 s9, $0xF7A;
	s5 =	simm.s32 @!p2 $0x0  }
0x1d: {  	s5 =	simm.s32 @p1 $0x1;
	p0 =	seq.s32 s7, s2  }
0x1e: {  	s7 =	smul.u32 @!p0 $0xF7A, s2;
	p2 =	seq.s32 @!p0 s5, $0x0  }
0x1f: {  	s9 =	smul.u32 $0xF7A, s1;
	s8 =	simm.s32 @!p0 $0x1BF5;
	p2 =	por !p2, p0  }
0x20: {  	[sflag:s8] =	ssyncset.s32 @!p0 $0xFFFFF086;
	s6 =	sadd.s32 @!p0 s3, s7;
	s7 =	simm.s32 @!p0 $0x108  }
0x21: {  	s3 =	sadd.s32 s3, s9;
	s6 =	sadd.s32 @!p0 $0x88, s6;
	s7 =	simm.s32 @p2 $0x1082  }
0x22: {  	[simem:s7], [sflag:s8] =	dma.local @!p0 [hbm:s6], $0xF7A  }
0x23: {  	s9 =	sor.u32 $0xD0000000, s2;
	s6 =	simm.s32 $0x108;
	_ =	swait.ge @!p0 [sflag:s8], $0x0  }
0x24: {  	s3 =	sadd.s32 $0x88, s3;
	s6 =	simm.s32 @!p1 $0x1082;
	[sflag:s4] =	ssyncset.s32 $0xFFFFF086  }
0x25: {  	[simem:s6], [sflag:s4] =	dma.local [hbm:s3], $0xF7A  }
0x26: {  	[smem:$0x3F9F] =	sst s1;
	(tag) =	ssettag s2;
	_ =	strace s9  }
0x27: {  	s1 =	sld [smem:$0x3FAF]  }
0x28: {  	s2 =	sld [smem:$0x3FB0]  }
0x29: {  	s4 =	sld [smem:$0x3FB2]  }
0x2a: {  	p0 =	seq.s32 s5, $0x0;
	s5 =	sld [smem:$0x3FB3]  }
0x2b: {  	s6 =	sld [smem:$0x3FB4]  }
0x2c: {  	s7 =	sld [smem:$0x3FB5]  }
0x2d: {  	s3 =	simm.s32 $0x108;
	s8 =	sld [smem:$0x3FB6]  }
0x2e: {  	s3 =	simm.s32 @!p0 $0x1082;
	s9 =	sld [smem:$0x3FB7]  }
0x2f: {  	lr =	sadd.s32 s0, s3;
	s0 =	sld [smem:$0x3FAE]  }
0x30: {  	s3 =	sld [smem:$0x3FB1]  }
0x31: {  	[smem:$0x3FBA] =	sst s10  }
0x32: {  	s10 =	sld [smem:$0x3FB8];
	_ =	sdelay $0x3  }
0x33: {  	p0 =	seq.s32 s10, $0x1;
	s10 =	sld [smem:$0x3FBA];
	_ =	sdelay $0x3  }
0x34: {  	[smem:$0x3FBA] =	sst s10  }
0x35: {  	s10 =	sld [smem:$0x3FB9];
	_ =	sdelay $0x3  }
0x36: {  	p1 =	seq.s32 s10, $0x1;
	s10 =	sld [smem:$0x3FBA];
	_ =	sdelay $0x3  }
0x37: {  	[smem:$0x3FBA] =	sst s10  }
0x38: {  	s10 =	sld [smem:$0x3FBB]  }
0x39: {  	_ = 	snop;
	(pc) =	sbr.ind lr, $3  }
0x3a: {  	_ = 	snop  }
0x3b: {  	_ = 	snop  }
0x3c: {  	p2 =	seq.s32 s10, $0x1;
	s10 =	sld [smem:$0x3FBA]  }
0x3d: {  	_ =	shalt  }
0x3e: {  	_ =	shalt  }
0x3f: {  	_ =	shalt  }
0x40: {  	_ =	shalt  }
0x41: {  	_ =	shalt  }
0x42: {  	_ =	shalt  }
0x43: {  	_ =	shalt  }
0x44: {  	_ =	shalt  }
0x45: {  	_ =	shalt  }
0x46: {  	_ =	shalt  }
0x47: {  	_ =	shalt  }
0x48: {  	_ =	shalt  }
0x49: {  	_ =	shalt  }
0x4a: {  	_ =	shalt  }
0x4b: {  	_ =	shalt  }
0x4c: {  	_ =	shalt  }
0x4d: {  	_ =	shalt  }
0x4e: {  	_ =	shalt  }
0x4f: {  	_ =	shalt  }
0x50: {  	_ =	shalt  }
0x51: {  	_ =	shalt  }
0x52: {  	_ =	shalt  }
0x53: {  	_ =	shalt  }
0x54: {  	_ =	shalt  }
0x55: {  	_ =	shalt  }
0x56: {  	_ =	shalt  }
0x57: {  	_ =	shalt  }
0x58: {  	_ =	shalt  }
0x59: {  	_ =	shalt  }
0x5a: {  	_ =	shalt  }
0x5b: {  	_ =	shalt  }
0x5c: {  	_ =	shalt  }
0x5d: {  	_ =	shalt  }
0x5e: {  	_ =	shalt  }
0x5f: {  	_ =	shalt  }
0x60: {  	_ =	shalt  }
0x61: {  	_ =	shalt  }
0x62: {  	_ =	shalt  }
0x63: {  	_ =	shalt  }
0x64: {  	_ =	shalt  }
0x65: {  	_ =	shalt  }
0x66: {  	_ =	shalt  }
0x67: {  	_ =	shalt  }
0x68: {  	_ =	shalt  }
0x69: {  	_ =	shalt  }
0x6a: {  	_ =	shalt  }
0x6b: {  	_ =	shalt  }
0x6c: {  	_ =	shalt  }
0x6d: {  	_ =	shalt  }
0x6e: {  	_ =	shalt  }
0x6f: {  	_ =	shalt  }
0x70: {  	_ =	shalt  }
0x71: {  	_ =	shalt  }
0x72: {  	_ =	shalt  }
0x73: {  	_ =	shalt  }
0x74: {  	_ =	shalt  }
0x75: {  	_ =	shalt  }
0x76: {  	_ =	shalt  }
0x77: {  	_ =	shalt  }
0x78: {  	_ =	shalt  }
0x79: {  	_ =	shalt  }
0x7a: {  	_ =	shalt  }
0x7b: {  	_ =	shalt  }
0x7c: {  	_ =	shalt  }
0x7d: {  	_ =	shalt  }
0x7e: {  	_ =	shalt  }
0x7f: {  	_ =	shalt  }
0x80: {  	_ =	shalt  }
0x81: {  	_ =	shalt  }
0x82: {  	_ =	shalt  }
0x83: {  	_ =	shalt  }
0x84: {  	_ =	shalt  }
0x85: {  	_ =	shalt  }
0x86: {  	_ =	shalt  }
0x87: {  	_ =	shalt  }
.Lfunc_end0:
.L_simem_size_0:
called_computation.1_lowered:
.L_overlay_start_0:
0x88: {  	s2 =	sld [smem:$0x3FD9]  }
0x89: {  	s3 =	sld [smem:$0x3FFE];
	_ =	sdelay $0x1  }
0x8a: {  	s1 =	srdreg.scid  }
0x8b: {  	s0 =	sand.u32 $0x1, s1  }
0x8c: {  	s17 =	sshll.u32 s0, $0xA;
	s2 =	sadd.s32 s3, s2  }
0x8d: {  	s2 =	sadd.s32 s2, s17  }
0x8e: {  	[smem:$0x3FC6] =	sst s2  }
0x8f: {  	_ = 	snop  }
0x90: {  	s2 =	sld [smem:$0x3FC8]  }
0x91: {  	s18 =	sld [smem:$0x3FD0];
	(tm) =	ssettm $0x1  }
0x92: {  	s4 =	sld [smem:$0x3FFB];
	_ =	sdelay $0x3  }
0x93: {  	_ =	strace s4  }
0x94: {  	s4 =	sld [smem:$0x3FFC];
	_ =	sdelay $0x3  }
0x95: {  	_ =	strace s4  }
0x96: {  	s4 =	sld [smem:$0x3FFD];
	_ =	sdelay $0x3  }
0x97: {  	_ =	strace s4  }
0x98: {  	_ =	strace $0x8FFFFFFF  }
0x99: {  	s19 =	sld [smem:$0x3FDB];
	_ =	sdelay $0x1  }
0x9a: {  	s5 =	simm.s32 $_scs_section_size  }
0x9b: {  	s6 =	simm.s32 $_size__tile_overlayer_lowered;
	s7 =	simm.s32 $_tile_overlayer_lowered  }
0x9c: {  	s22 =	simm.s32 $0x1BFF;
	s21 =	sshll.u32 s7, $0x1;
	s4 =	sadd.s32 s5, s19  }
0x9d: {  	s8 =	simm.s32 $0x0;
	s20 =	sshll.u32 s6, $0x1;
	s6 =	sadd.s32 s21, s4  }
0x9e: {  	[timem:s8], [sflag:s22] =	dma.local [hbm:s6], s20  }
0x9f: {  	_ =	swait.ge [sflag:s22], s20  }
0xa0: {  	s5 =	ssub.s32 $0x0, s20;
	[sflag:s22] =	ssyncset.done $0x0  }
0xa1: {  	[sflag:s22] =	ssyncadd.s32 s5;
	_ =	sdelay $0x1  }
0xa2: {  	s23 =	simm.s32 $0x1B8B  }
0xa3: {  	_ =	swait.ge [sflag:s23], $0x1  }
0xa4: {  	[sflag:s23] =	ssyncset.done $0x0  }
0xa5: {  	s25 =	simm.s32 $0x1B8E;
	s24 =	sld [smem:$0x3FFE];
	[sflag:s23] =	ssyncadd.s32 $0xFFFFFFFF  }
0xa6: {  	s26 =	simm.s32 $execute0_lowered;
	[smem:$0x3FD2] =	sst s25  }
0xa7: {  	s6 =	sshll.u32 s26, $0x1;
	_ =	strace $0x80000046;
	[dreg:$0x1] =	wrdreg $0xFFFFFFFF  }
0xa8: {  	s28 =	simm.s32 $_size_execute0_lowered;
	s4 =	sadd.s32 s4, s6;
	[dreg:$0x0] =	wrdreg $0x0  }
0xa9: {  	s6 =	sshll.u32 s28, $0x1;
	[dreg:$0x2] =	wrdreg s4  }
0xaa: {  	[dreg:$0x3] =	wrdreg s6  }
0xab: {  	[dreg:$0x4] =	wrdreg $0xC0  }
0xac: {  	_ =	task [dreg:s8], $0x5FFFF  }
0xad: {  	[dreg:$0x1] =	wrdreg $0xFFFFFFFF  }
0xae: {  	[dreg:$0x0] =	wrdreg $0x60  }
0xaf: {  	[dreg:$0x2] =	wrdreg s24  }
0xb0: {  	[dreg:$0x3] =	wrdreg s2  }
0xb1: {  	[dreg:$0x4] =	wrdreg s18  }
0xb2: {  	[dreg:$0x5] =	wrdreg $0x11D000  }
0xb3: {  	[dreg:$0x6] =	wrdreg $0x9  }
0xb4: {  	_ =	task.clear_ibuf [dreg:s8], $0x7FFFF;
	_ =	strace $0x90000046  }
0xb5: {  	s29 =	simm.s32 $0x9;
	_ =	strace $0x80000048  }
0xb6: {  	_ =	swait.ge [sflag:s29], $0x1  }
0xb7: {  	[sflag:s29] =	ssyncadd.s32 $0xFFFFFFFF  }
0xb8: {  	_ =	strace $0x90000048  }
0xb9: {  	_ =	sfence  }
0xba: {  	s30 =	sld [smem:$0x0];
	_ =	sdelay $0x2  }
0xbb: {  	s31 =	sshll.u32 s1, $0xD;
	s1 =	sshrl.u32 s1, $0x2  }
0xbc: {  	s3 =	sand.u32 $0x4000, s31;
	s1 =	sadd.s32 s1, s30  }
0xbd: {  	s0 =	sor.u32 s3, s0;
	s1 =	sshll.u32 s1, $0x11  }
0xbe: {  	s0 =	sor.u32 s1, s0  }
0xbf: {  	s0 =	sadd.s32 $0x8F2B, s0  }
0xc0: {  	[sflag:s0] =	ssyncadd.remote.s32 $0x1  }
0xc1: {  	_ =	sfence.sel $0xFFFF  }
0xc2: {  	[dreg:$0x0] =	wrdreg $0xFFFFFFFF;
	(pc) =	sbr.abs _section_cstart, $3  }
0xc3: {  	[dreg:$0x1] =	wrdreg $0xFFFFFFFF  }
0xc4: {  	_ =	task.clear_ibuf [dreg:s8], $0x2FFFF;
	_ =	strace $0x9FFFFFFF  }
0xc5: {  	(tm) =	ssettm $0x7FFFFFFF  }
tec
execute0_lowered:
.L_overlay_start_1:
0x0: {  	(tag) =	ssettag $0x1  }
0x1: {  	s0 =	rddreg [dreg:$0x0]  }
0x2: {  	s4 =	rddreg [dreg:$0x1]  }
0x3: {  	s7 =	rddreg [dreg:$0x2];
	s2 =	srdreg.scid  }
0x4: {  	s8 =	stileid.u32;
	s1 =	rddreg [dreg:$0x3];
	s12 =	simm.s32 $0x7D00  }
0x5: {  	s13 =	simm.s32 $0x8D00;
	s15 =	simm.s32 $0x9D00;
	s17 =	simm.s32 $0xAD00  }
0x6: {  	s19 =	simm.s32 $0xBD00;
	s20 =	simm.s32 $0x1;
	s22 =	simm.s32 $0xCD00  }
0x7: {  	s28 =	simm.s32 $0x400;
	s29 =	simm.s32 $0xFD00;
	s30 =	simm.s32 $0x480  }
0x8: {  	s31 =	simm.s32 $0x10D00;
	s14 =	simm.s32 $0x3;
	s16 =	simm.s32 $0x0  }
0x9: {  	s6 =	sand.u32 $0x1, s2;
	s3 =	sshll.u32 s8, $0x1;
	s2 =	simm.s32 $0x0  }
0xa: {  	s24 =	smul.u32 $0x3E800, s8;
	p0 =	sne.s32 s8, $0x0;
	s3 =	sor.u32 s6, s3  }
0xb: {  	[smem:$0x7FF] =	sst s2;
	s5 =	ssub.s32 $0x2, s6;
	s25 =	smul.u32 $0x1F400, s6  }
0xc: {  	s9 =	smul.u32 $0xFA0, s3;
	_ =	strace $0x80000047;
	s10 =	sshrl.u32 s5, $0x1  }
0xd: {  	s11 =	smul.u32 $0x1F400, s3;
	s3 =	sadd.s32 $0x800, s0;
	s26 =	sadd.s32 s24, s7  }
0xe: {  	s24 =	simm.s32 $0xDD00;
	s0 =	simm.s32 $0x2;
	s23 =	ssub.s32 s5, s10  }
0xf: {  	s8 =	sadd.s32 s25, s26;
	s10 =	simm.s32 $0x4;
	s26 =	simm.s32 $0xED00  }
0x10: {  	s4 =	sadd.s32 s4, s9;
	s5 =	smax.u32 s23, $0x1;
	s6 =	sadd.s32 s7, s11  }
0x11: {  	s9 =	sshrl.u32 @!p0 s1, $0x3;
	s11 =	simm.s32 $0x80;
	s7 =	sadd.s32 $0xA00, s6  }
.LBB2_1:
0x12: {  	s18 =	simm.s32 @!p0 $0x1C04  }
0x13: {  	[spmem:s9], [sflag:s18] =	dma.local @!p0 [hbm:s3], $0x19C  }
0x14: {  	s18 =	simm.s32 @!p0 $0x4  }
0x15: {  	_ =	swait.ge @!p0 [sflag:s18], $0x19C  }
0x16: {  	[sflag:s18] =	ssyncset.done @!p0 $0x0  }
0x17: {  	[sflag:s18] =	ssyncadd.s32 @!p0 $0xFFFFFE64  }
0x18: {  	[tilespmem:s2], [sflag:$0x4] =	stream.linear.gather [hbm4b:s4+s2], $0x7D00, $0x38;
	[tilespmem:$0x11DD0] =	vst v63  }
0x19: {  	_ =	swait.ge [sflag:s10], $0x7D00  }
0x1a: {  	[sflag:s10] =	ssyncset.done $0x0  }
0x1b: {  	[sflag:s10] =	ssyncadd.s32 $0xFFFF8300  }
0x1c: {  	[bflag:$0x0] =	sbarrier.arrive $0xFFFF  }
0x1d: {  	[tilespmem:s12], [sflag:$0x1] =	stream.indirect.gather [spmem:s1], $0x20, s2, s11, $0xb8;
	[tilespmem:$0x11DD0] =	vst v63  }
0x1e: {  	_ = 	snop  }
0x1f: {  	[tilespmem:s13], [sflag:$0x1] =	stream.indirect.gather [spmem:s1], $0x20, s11, s11, $0xb8;
	[tilespmem:$0x11DD0] =	vst v63  }
0x20: {  	s25 =	simm.s32 $0x100  }
0x21: {  	[tilespmem:s15], [sflag:$0x1] =	stream.indirect.gather [spmem:s1], $0x20, s25, s11, $0xb8;
	[tilespmem:$0x11DD0] =	vst v63  }
0x22: {  	s21 =	simm.s32 $0x180  }
0x23: {  	[tilespmem:s17], [sflag:$0x1] =	stream.indirect.gather [spmem:s1], $0x20, s21, s11, $0xb8;
	[tilespmem:$0x11DD0] =	vst v63  }
0x24: {  	s23 =	simm.s32 $0x200  }
0x25: {  	[tilespmem:s19], [sflag:$0x1] =	stream.indirect.gather [spmem:s1], $0x20, s23, s11, $0xb8;
	[tilespmem:$0x11DD0] =	vst v63  }
0x26: {  	_ =	swait.ge [sflag:s20], $0x1000  }
0x27: {  	[sflag:s20] =	ssyncset.done $0x0  }
0x28: {  	[sflag:s20] =	ssyncadd.s32 $0xFFFFF000  }
0x29: {  	_ =	swait.ge [sflag:s20], $0x1000  }
0x2a: {  	[sflag:s20] =	ssyncset.done $0x0  }
0x2b: {  	[sflag:s20] =	ssyncadd.s32 $0xFFFFF000  }
0x2c: {  	_ =	swait.ge [sflag:s20], $0x1000  }
0x2d: {  	[sflag:s20] =	ssyncset.done $0x0  }
0x2e: {  	[sflag:s20] =	ssyncadd.s32 $0xFFFFF000  }
0x2f: {  	_ =	swait.ge [sflag:s20], $0x1000  }
0x30: {  	[sflag:s20] =	ssyncset.done $0x0  }
0x31: {  	[sflag:s20] =	ssyncadd.s32 $0xFFFFF000  }
0x32: {  	_ =	swait.ge [sflag:s20], $0x1000  }
0x33: {  	[sflag:s20] =	ssyncset.done $0x0  }
0x34: {  	[sflag:s20] =	ssyncadd.s32 $0xFFFFF000  }
0x35: {  	[hbm4b:s6+s2] =	stream.linear.scatter [tilespmem:s12], [sflag:$0x2], $0x5000, $0x38;
	[tilespmem:$0x11DD0] =	vst v63  }
0x36: {  	s25 =	simm.s32 $0x280  }
0x37: {  	[tilespmem:s22], [sflag:$0x1] =	stream.indirect.gather [spmem:s1], $0x20, s25, s11, $0xb8;
	[tilespmem:$0x11DD0] =	vst v63  }
0x38: {  	s21 =	simm.s32 $0x300  }
0x39: {  	[tilespmem:s24], [sflag:$0x1] =	stream.indirect.gather [spmem:s1], $0x20, s21, s11, $0xb8;
	[tilespmem:$0x11DD0] =	vst v63  }
0x3a: {  	s23 =	simm.s32 $0x380  }
0x3b: {  	[tilespmem:s26], [sflag:$0x1] =	stream.indirect.gather [spmem:s1], $0x20, s23, s11, $0xb8;
	[tilespmem:$0x11DD0] =	vst v63  }
0x3c: {  	_ = 	snop  }
0x3d: {  	[tilespmem:s29], [sflag:$0x1] =	stream.indirect.gather [spmem:s1], $0x20, s28, s11, $0xb8;
	[tilespmem:$0x11DD0] =	vst v63  }
0x3e: {  	_ = 	snop  }
0x3f: {  	[tilespmem:s31], [sflag:$0x1] =	stream.indirect.gather [spmem:s1], $0x20, s30, s11, $0xb8;
	[tilespmem:$0x11DD0] =	vst v63  }
0x40: {  	_ =	swait.ge [sflag:s20], $0x1000  }
0x41: {  	[sflag:s20] =	ssyncset.done $0x0  }
0x42: {  	[sflag:s20] =	ssyncadd.s32 $0xFFFFF000  }
0x43: {  	_ =	swait.ge [sflag:s20], $0x1000  }
0x44: {  	[sflag:s20] =	ssyncset.done $0x0  }
0x45: {  	[sflag:s20] =	ssyncadd.s32 $0xFFFFF000  }
0x46: {  	_ =	swait.ge [sflag:s20], $0x1000  }
0x47: {  	[sflag:s20] =	ssyncset.done $0x0  }
0x48: {  	[sflag:s20] =	ssyncadd.s32 $0xFFFFF000  }
0x49: {  	_ =	swait.ge [sflag:s20], $0x1000  }
0x4a: {  	[sflag:s20] =	ssyncset.done $0x0  }
0x4b: {  	[sflag:s20] =	ssyncadd.s32 $0xFFFFF000  }
0x4c: {  	_ =	swait.ge [sflag:s20], $0x1000  }
0x4d: {  	[sflag:s20] =	ssyncset.done $0x0  }
0x4e: {  	[sflag:s20] =	ssyncadd.s32 $0xFFFFF000  }
0x4f: {  	[hbm4b:s7+s2] =	stream.linear.scatter [tilespmem:s22], [sflag:$0x3], $0x5000, $0x38;
	[tilespmem:$0x11DD0] =	vst v63  }
0x50: {  	_ =	swait.ge [sflag:s0], $0x5000  }
0x51: {  	[sflag:s0] =	ssyncset.done $0x0  }
0x52: {  	s25 =	simm.s32 $0x500;
	[sflag:s0] =	ssyncadd.s32 $0xFFFFB000  }
0x53: {  	[tilespmem:s12], [sflag:$0x1] =	stream.indirect.gather [spmem:s1], $0x20, s25, s11, $0xb8;
	[tilespmem:$0x11DD0] =	vst v63  }
0x54: {  	s21 =	simm.s32 $0x580  }
0x55: {  	[tilespmem:s13], [sflag:$0x1] =	stream.indirect.gather [spmem:s1], $0x20, s21, s11, $0xb8;
	[tilespmem:$0x11DD0] =	vst v63  }
0x56: {  	s23 =	simm.s32 $0x600  }
0x57: {  	[tilespmem:s15], [sflag:$0x1] =	stream.indirect.gather [spmem:s1], $0x20, s23, s11, $0xb8;
	[tilespmem:$0x11DD0] =	vst v63  }
0x58: {  	s25 =	simm.s32 $0x680  }
0x59: {  	[tilespmem:s17], [sflag:$0x1] =	stream.indirect.gather [spmem:s1], $0x20, s25, s11, $0xb8;
	[tilespmem:$0x11DD0] =	vst v63  }
0x5a: {  	s21 =	simm.s32 $0x700  }
0x5b: {  	[tilespmem:s19], [sflag:$0x1] =	stream.indirect.gather [spmem:s1], $0x20, s21, s11, $0xb8;
	[tilespmem:$0x11DD0] =	vst v63  }
0x5c: {  	_ =	swait.ge [sflag:s20], $0x1000  }
0x5d: {  	[sflag:s20] =	ssyncset.done $0x0  }
0x5e: {  	[sflag:s20] =	ssyncadd.s32 $0xFFFFF000  }
0x5f: {  	_ =	swait.ge [sflag:s20], $0x1000  }
0x60: {  	[sflag:s20] =	ssyncset.done $0x0  }
0x61: {  	[sflag:s20] =	ssyncadd.s32 $0xFFFFF000  }
0x62: {  	_ =	swait.ge [sflag:s20], $0x1000  }
0x63: {  	[sflag:s20] =	ssyncset.done $0x0  }
0x64: {  	[sflag:s20] =	ssyncadd.s32 $0xFFFFF000  }
0x65: {  	_ =	swait.ge [sflag:s20], $0x1000  }
0x66: {  	[sflag:s20] =	ssyncset.done $0x0  }
0x67: {  	[sflag:s20] =	ssyncadd.s32 $0xFFFFF000  }
0x68: {  	_ =	swait.ge [sflag:s20], $0x1000  }
0x69: {  	s21 =	sadd.s32 $0x0, s8;
	[sflag:s20] =	ssyncset.done $0x0  }
0x6a: {  	s23 =	sadd.s32 $0x1400, s21;
	[sflag:s20] =	ssyncadd.s32 $0xFFFFF000  }
0x6b: {  	[hbm4b:s23+s2] =	stream.linear.scatter [tilespmem:s12], [sflag:$0x2], $0x5000, $0x38;
	[tilespmem:$0x11DD0] =	vst v63  }
0x6c: {  	_ =	swait.ge [sflag:s14], $0x5000  }
0x6d: {  	[sflag:s14] =	ssyncset.done $0x0  }
0x6e: {  	s25 =	simm.s32 $0x780;
	[sflag:s14] =	ssyncadd.s32 $0xFFFFB000  }
0x6f: {  	[tilespmem:s22], [sflag:$0x1] =	stream.indirect.gather [spmem:s1], $0x20, s25, s11, $0xb8;
	[tilespmem:$0x11DD0] =	vst v63  }
0x70: {  	s23 =	simm.s32 $0x800  }
0x71: {  	[tilespmem:s24], [sflag:$0x1] =	stream.indirect.gather [spmem:s1], $0x20, s23, s11, $0xb8;
	[tilespmem:$0x11DD0] =	vst v63  }
0x72: {  	s25 =	simm.s32 $0x880  }
0x73: {  	[tilespmem:s26], [sflag:$0x1] =	stream.indirect.gather [spmem:s1], $0x20, s25, s11, $0xb8;
	[tilespmem:$0x11DD0] =	vst v63  }
0x74: {  	s23 =	simm.s32 $0x900  }
0x75: {  	[tilespmem:s29], [sflag:$0x1] =	stream.indirect.gather [spmem:s1], $0x20, s23, s11, $0xb8;
	[tilespmem:$0x11DD0] =	vst v63  }
0x76: {  	s25 =	simm.s32 $0x980  }
0x77: {  	[tilespmem:s31], [sflag:$0x1] =	stream.indirect.gather [spmem:s1], $0x20, s25, s11, $0xb8;
	[tilespmem:$0x11DD0] =	vst v63  }
0x78: {  	_ =	swait.ge [sflag:s20], $0x1000  }
0x79: {  	[sflag:s20] =	ssyncset.done $0x0  }
0x7a: {  	[sflag:s20] =	ssyncadd.s32 $0xFFFFF000  }
0x7b: {  	_ =	swait.ge [sflag:s20], $0x1000  }
0x7c: {  	[sflag:s20] =	ssyncset.done $0x0  }
0x7d: {  	[sflag:s20] =	ssyncadd.s32 $0xFFFFF000  }
0x7e: {  	_ =	swait.ge [sflag:s20], $0x1000  }
0x7f: {  	[sflag:s20] =	ssyncset.done $0x0  }
0x80: {  	[sflag:s20] =	ssyncadd.s32 $0xFFFFF000  }
0x81: {  	_ =	swait.ge [sflag:s20], $0x1000  }
0x82: {  	[sflag:s20] =	ssyncset.done $0x0  }
0x83: {  	[sflag:s20] =	ssyncadd.s32 $0xFFFFF000  }
0x84: {  	_ =	swait.ge [sflag:s20], $0x1000  }
0x85: {  	[sflag:s20] =	ssyncset.done $0x0  }
0x86: {  	s18 =	simm.s32 $0x1400;
	s21 =	sadd.s32 $0x1E00, s21;
	[sflag:s20] =	ssyncadd.s32 $0xFFFFF000  }
.LBB2_2:
0x87: {  	[hbm4b:s21+s2] =	stream.linear.scatter [tilespmem:s22], [sflag:$0x3], $0x5000, $0x38;
	[tilespmem:$0x11DD0] =	vst v63  }
0x88: {  	s23 =	smov.u32 s18  }
0x89: {  	p1 =	sne.s32 s18, $0x1CC00;
	s18 =	sadd.s32 $0x1400, s18;
	_ =	swait.ge [sflag:s0], $0x5000  }
0x8a: {  	s21 =	sshra.s32 s23, $0x2;
	[sflag:s0] =	ssyncset.done $0x0  }
0x8b: {  	s25 =	sadd.s32 $0x500, s21;
	[sflag:s0] =	ssyncadd.s32 $0xFFFFB000  }
0x8c: {  	[tilespmem:s12], [sflag:$0x1] =	stream.indirect.gather [spmem:s1], $0x20, s25, s11, $0xb8;
	[tilespmem:$0x11DD0] =	vst v63  }
0x8d: {  	s25 =	sadd.s32 $0x580, s21  }
0x8e: {  	[tilespmem:s13], [sflag:$0x1] =	stream.indirect.gather [spmem:s1], $0x20, s25, s11, $0xb8;
	[tilespmem:$0x11DD0] =	vst v63  }
0x8f: {  	s25 =	sadd.s32 $0x600, s21  }
0x90: {  	[tilespmem:s15], [sflag:$0x1] =	stream.indirect.gather [spmem:s1], $0x20, s25, s11, $0xb8;
	[tilespmem:$0x11DD0] =	vst v63  }
0x91: {  	s25 =	sadd.s32 $0x680, s21  }
0x92: {  	[tilespmem:s17], [sflag:$0x1] =	stream.indirect.gather [spmem:s1], $0x20, s25, s11, $0xb8;
	[tilespmem:$0x11DD0] =	vst v63  }
0x93: {  	s25 =	sadd.s32 $0x700, s21  }
0x94: {  	[tilespmem:s19], [sflag:$0x1] =	stream.indirect.gather [spmem:s1], $0x20, s25, s11, $0xb8;
	[tilespmem:$0x11DD0] =	vst v63  }
0x95: {  	_ =	swait.ge [sflag:s20], $0x1000  }
0x96: {  	[sflag:s20] =	ssyncset.done $0x0  }
0x97: {  	[sflag:s20] =	ssyncadd.s32 $0xFFFFF000  }
0x98: {  	_ =	swait.ge [sflag:s20], $0x1000  }
0x99: {  	[sflag:s20] =	ssyncset.done $0x0  }
0x9a: {  	[sflag:s20] =	ssyncadd.s32 $0xFFFFF000  }
0x9b: {  	_ =	swait.ge [sflag:s20], $0x1000  }
0x9c: {  	[sflag:s20] =	ssyncset.done $0x0  }
0x9d: {  	[sflag:s20] =	ssyncadd.s32 $0xFFFFF000  }
0x9e: {  	_ =	swait.ge [sflag:s20], $0x1000  }
0x9f: {  	[sflag:s20] =	ssyncset.done $0x0  }
0xa0: {  	[sflag:s20] =	ssyncadd.s32 $0xFFFFF000  }
0xa1: {  	_ =	swait.ge [sflag:s20], $0x1000  }
0xa2: {  	s23 =	sadd.s32 s23, s8;
	[sflag:s20] =	ssyncset.done $0x0  }
0xa3: {  	s25 =	sadd.s32 $0x1400, s23;
	[sflag:s20] =	ssyncadd.s32 $0xFFFFF000  }
0xa4: {  	[hbm4b:s25+s2] =	stream.linear.scatter [tilespmem:s12], [sflag:$0x2], $0x5000, $0x38;
	[tilespmem:$0x11DD0] =	vst v63  }
0xa5: {  	_ =	swait.ge [sflag:s14], $0x5000  }
0xa6: {  	[sflag:s14] =	ssyncset.done $0x0  }
0xa7: {  	s25 =	sadd.s32 $0x780, s21;
	[sflag:s14] =	ssyncadd.s32 $0xFFFFB000  }
0xa8: {  	[tilespmem:s22], [sflag:$0x1] =	stream.indirect.gather [spmem:s1], $0x20, s25, s11, $0xb8;
	[tilespmem:$0x11DD0] =	vst v63  }
0xa9: {  	s25 =	sadd.s32 $0x800, s21  }
0xaa: {  	[tilespmem:s24], [sflag:$0x1] =	stream.indirect.gather [spmem:s1], $0x20, s25, s11, $0xb8;
	[tilespmem:$0x11DD0] =	vst v63  }
0xab: {  	s25 =	sadd.s32 $0x880, s21  }
0xac: {  	[tilespmem:s26], [sflag:$0x1] =	stream.indirect.gather [spmem:s1], $0x20, s25, s11, $0xb8;
	[tilespmem:$0x11DD0] =	vst v63  }
0xad: {  	s25 =	sadd.s32 $0x900, s21  }
0xae: {  	[tilespmem:s29], [sflag:$0x1] =	stream.indirect.gather [spmem:s1], $0x20, s25, s11, $0xb8;
	[tilespmem:$0x11DD0] =	vst v63  }
0xaf: {  	s21 =	sadd.s32 $0x980, s21  }
0xb0: {  	[tilespmem:s31], [sflag:$0x1] =	stream.indirect.gather [spmem:s1], $0x20, s21, s11, $0xb8;
	[tilespmem:$0x11DD0] =	vst v63  }
0xb1: {  	_ =	swait.ge [sflag:s20], $0x1000  }
0xb2: {  	[sflag:s20] =	ssyncset.done $0x0  }
0xb3: {  	[sflag:s20] =	ssyncadd.s32 $0xFFFFF000  }
0xb4: {  	_ =	swait.ge [sflag:s20], $0x1000  }
0xb5: {  	[sflag:s20] =	ssyncset.done $0x0  }
0xb6: {  	[sflag:s20] =	ssyncadd.s32 $0xFFFFF000  }
0xb7: {  	_ =	swait.ge [sflag:s20], $0x1000  }
0xb8: {  	[sflag:s20] =	ssyncset.done $0x0  }
0xb9: {  	[sflag:s20] =	ssyncadd.s32 $0xFFFFF000  }
0xba: {  	_ =	swait.ge [sflag:s20], $0x1000  }
.Ltmp0:
0xbb: {  	[sflag:s20] =	ssyncset.done $0x0;
	(pc) =	sbr.rel @p1 .LBB2_2-.Ltmp0, $4  }
0xbc: {  	[sflag:s20] =	ssyncadd.s32 $0xFFFFF000  }
0xbd: {  	_ =	swait.ge [sflag:s20], $0x1000  }
0xbe: {  	[sflag:s20] =	ssyncset.done $0x0  }
0xbf: {  	s21 =	sadd.s32 $0x1E00, s23;
	[sflag:s20] =	ssyncadd.s32 $0xFFFFF000  }
0xc0: {  	[hbm4b:s21+s2] =	stream.linear.scatter [tilespmem:s22], [sflag:$0x3], $0x5000, $0x38;
	[tilespmem:$0x11DD0] =	vst v63  }
0xc1: {  	s16 =	sadd.s32 $0x1, s16  }
0xc2: {  	_ =	swait.ge [sflag:s0], $0x5000;
	p1 =	sne.s32 s16, s5  }
.Ltmp1:
0xc3: {  	[sflag:s0] =	ssyncset.done $0x0;
	(pc) =	sbr.rel @p1 .LBB2_1-.Ltmp1, $4  }
0xc4: {  	[sflag:s0] =	ssyncadd.s32 $0xFFFFB000  }
0xc5: {  	_ =	swait.ge [sflag:s14], $0x5000  }
0xc6: {  	[sflag:s14] =	ssyncset.done $0x0  }
0xc7: {  	[sflag:s14] =	ssyncadd.s32 $0xFFFFB000  }
0xc8: {  	_ =	sfence.sel $0x180000  }
0xc9: {  	[bflag:$0x0] =	sbarrier.arrive $0xFFFF  }
0xca: {  	_ =	strace $0x90000047  }
0xcb: {  	[bflag:$0x2] =	sbarrier.arrive $0xFFFF  }
0xcc: {  	s0 =	rddreg [dreg:$0x4]  }
0xcd: {  	s0 =	sadd.s32 @!p0 $0x100000, s0  }
0xce: {  	[sflag:s0] =	ssyncadd.tile.s32 @!p0 $0x1;
	_ =	shalt  }
.Lfunc_end2:
_tile_overlayer_lowered:
.L_overlay_start_2:
0xcf: {  	(tag) =	ssettag $0x2  }
0xd0: {  	s0 =	rddreg [dreg:$0x0];
	s2 =	stileid.u32  }
0xd1: {  	s1 =	rddreg [dreg:$0x1];
	p0 =	sne.s32 s2, $0x0  }
0xd2: {  	s3 =	rddreg [dreg:$0x2];
	[bflag:$0x3] =	sbarrier.arrive $0xFFFF;
	s2 =	simm.s32 @!p0 $0x1C04  }
0xd3: {  	[timem:s3], [sflag:s2] =	dma.local @!p0 [hbm:s0], s1  }
0xd4: {  	s0 =	simm.s32 @!p0 $0x4  }
0xd5: {  	_ =	swait.ge @!p0 [sflag:s0], s1  }
0xd6: {  	s1 =	ssub.s32 @!p0 $0x0, s1;
	[sflag:s0] =	ssyncset.done @!p0 $0x0  }
0xd7: {  	[sflag:s0] =	ssyncadd.s32 @!p0 s1  }
0xd8: {  	[bflag:$0x3] =	sbarrier.arrive $0xFFFF  }
0xd9: {  	_ =	shalt  }

// kernel: sparse-core-data-format-call.cloned.1.call-start
scs
called_computation_lowered:
.L_overlay_start_0:
0x0: {  	s2 =	sld [smem:$0x3FD9]  }
0x1: {  	s3 =	sld [smem:$0x3FFE];
	_ =	sdelay $0x1  }
0x2: {  	s1 =	srdreg.scid  }
0x3: {  	s0 =	sand.u32 $0x1, s1  }
0x4: {  	s18 =	sshll.u32 s0, $0xA;
	s2 =	sadd.s32 s3, s2  }
0x5: {  	s2 =	sadd.s32 s2, s18  }
0x6: {  	[smem:$0x3FC6] =	sst s2  }
0x7: {  	_ = 	snop  }
0x8: {  	s2 =	sld [smem:$0x3FD0];
	(tm) =	ssettm $0x1  }
0x9: {  	s19 =	sld [smem:$0x3FFB];
	_ =	sdelay $0x3  }
0xa: {  	_ =	strace s19  }
0xb: {  	s3 =	sld [smem:$0x3FFC];
	_ =	sdelay $0x3  }
0xc: {  	_ =	strace s3  }
0xd: {  	s3 =	sld [smem:$0x3FFD];
	_ =	sdelay $0x3  }
0xe: {  	_ =	strace s3  }
0xf: {  	_ =	strace $0x8FFFFFFF  }
0x10: {  	s20 =	sld [smem:$0x3FDB];
	_ =	sdelay $0x1  }
0x11: {  	s4 =	simm.s32 $_scs_section_size  }
0x12: {  	s5 =	simm.s32 $_size__tile_overlayer_lowered;
	s6 =	simm.s32 $_tile_overlayer_lowered  }
0x13: {  	s23 =	simm.s32 $0x1BFF;
	s22 =	sshll.u32 s6, $0x1;
	s3 =	sadd.s32 s4, s20  }
0x14: {  	s7 =	simm.s32 $0x0;
	s21 =	sshll.u32 s5, $0x1;
	s5 =	sadd.s32 s22, s3  }
0x15: {  	[timem:s7], [sflag:s23] =	dma.local [hbm:s5], s21  }
0x16: {  	_ =	swait.ge [sflag:s23], s21  }
0x17: {  	s4 =	ssub.s32 $0x0, s21;
	[sflag:s23] =	ssyncset.done $0x0  }
0x18: {  	[sflag:s23] =	ssyncadd.s32 s4;
	_ =	sdelay $0x1  }
0x19: {  	s24 =	simm.s32 $0x1B8B  }
0x1a: {  	_ =	swait.ge [sflag:s24], $0x1  }
0x1b: {  	[sflag:s24] =	ssyncset.done $0x0  }
0x1c: {  	s26 =	simm.s32 $0x1B8E;
	s25 =	sld [smem:$0x3FFE];
	[sflag:s24] =	ssyncadd.s32 $0xFFFFFFFF  }
0x1d: {  	s27 =	simm.s32 $execute0_lowered;
	[smem:$0x3FD2] =	sst s26  }
0x1e: {  	s5 =	sshll.u32 s27, $0x1;
	_ =	strace $0x80000049;
	[dreg:$0x1] =	wrdreg $0xFFFFFFFF  }
0x1f: {  	s28 =	simm.s32 $_size_execute0_lowered;
	s3 =	sadd.s32 s3, s5;
	[dreg:$0x0] =	wrdreg $0x0  }
0x20: {  	s5 =	sshll.u32 s28, $0x1;
	[dreg:$0x2] =	wrdreg s3  }
0x21: {  	[dreg:$0x3] =	wrdreg s5  }
0x22: {  	[dreg:$0x4] =	wrdreg $0xC0  }
0x23: {  	_ =	task [dreg:s7], $0x5FFFF  }
0x24: {  	[dreg:$0x1] =	wrdreg $0xFFFFFFFF  }
0x25: {  	[dreg:$0x0] =	wrdreg $0x60  }
0x26: {  	[dreg:$0x2] =	wrdreg s25  }
0x27: {  	[dreg:$0x3] =	wrdreg s2  }
0x28: {  	[dreg:$0x4] =	wrdreg $0x9  }
0x29: {  	_ =	task.clear_ibuf [dreg:s7], $0x5FFFF;
	_ =	strace $0x90000049  }
0x2a: {  	s29 =	simm.s32 $0x9;
	_ =	strace $0x8000004B  }
0x2b: {  	_ =	swait.ge [sflag:s29], $0x1  }
0x2c: {  	[sflag:s29] =	ssyncadd.s32 $0xFFFFFFFF  }
0x2d: {  	_ =	strace $0x9000004B  }
0x2e: {  	_ =	sfence  }
0x2f: {  	s30 =	sld [smem:$0x0];
	_ =	sdelay $0x2  }
0x30: {  	s31 =	sshll.u32 s1, $0xD;
	s1 =	sshrl.u32 s1, $0x2  }
0x31: {  	s3 =	sand.u32 $0x4000, s31;
	s1 =	sadd.s32 s1, s30  }
0x32: {  	s0 =	sor.u32 s3, s0;
	s1 =	sshll.u32 s1, $0x11  }
0x33: {  	s0 =	sor.u32 s1, s0  }
0x34: {  	s0 =	sadd.s32 $0x8F2B, s0  }
0x35: {  	[sflag:s0] =	ssyncadd.remote.s32 $0x1  }
0x36: {  	_ =	sfence.sel $0xFFFF  }
0x37: {  	[dreg:$0x0] =	wrdreg $0xFFFFFFFF;
	(pc) =	sbr.abs _section_cstart, $3  }
0x38: {  	[dreg:$0x1] =	wrdreg $0xFFFFFFFF  }
0x39: {  	_ =	task.clear_ibuf [dreg:s7], $0x2FFFF;
	_ =	strace $0x9FFFFFFF  }
0x3a: {  	(tm) =	ssettm $0x7FFFFFFF  }
0x3b: {  	_ =	shalt  }
tec
execute0_lowered:
.L_overlay_start_1:
0x0: {  	(tag) =	ssettag $0x1  }
0x1: {  	s0 =	srdreg.scid  }
0x2: {  	s9 =	rddreg [dreg:$0x0];
	s1 =	sshll.u32 s0, $0x4  }
0x3: {  	s3 =	rddreg [dreg:$0x1];
	s0 =	stileid.u32;
	s1 =	sand.u32 $0x10, s1  }
0x4: {  	s6 =	simm.s32 $0x1;
	s31 =	simm.s32 $0x2;
	s1 =	sor.u32 s0, s1  }
0x5: {  	s16 =	simm.s32 $0x0;
	s11 =	simm.s32 $0x1000;
	s2 =	sshll.u32 s1, $0x2  }
0x6: {  	s12 =	simm.s32 $0x5000;
	s17 =	simm.s32 $0x0;
	s4 =	ssub.s32 $0x640, s2  }
0x7: {  	s13 =	simm.s32 $0x0;
	s15 =	simm.s32 $0x0;
	s5 =	sand.u32 $0x7C, s4  }
0x8: {  	s8 =	sadd.s32 $0x5800, s9;
	s1 =	rddreg [dreg:$0x2];
	p0 =	sne.s32 s5, $0x0  }
.Ltmp0:
0x9: {  	s7 =	sshrl.u32 s4, $0x7;
	s6 =	simm.s32 @!p0 $0x0;
	(pc) =	sbr.rel .LBB1_1-.Ltmp0, $4  }
0xa: {  	_ =	strace $0x8000004A;
	s5 =	simm.s32 $0x1;
	s6 =	sadd.s32 s6, s7  }
0xb: {  	s14 =	smov.u32 s2;
	[sflag:s5] =	ssyncpa.u1 $0x0;
	s6 =	smul.u32 $0x5, s6  }
0xc: {  	s4 =	sadd.s32 $0x800, s9;
	p0 =	por $0x0, $0x0;
	[sflag:s31] =	ssyncpa.u1 $0x0  }
0xd: {  	s7 =	sadd.s32 $0x3000, s9;
	s9 =	sadd.s32 $0x8000, s9;
	s10 =	sadd.s32 $0x1, s6  }
.LBB1_7:
0xe: {  	s18 =	sadd.s32 $0x1, s13  }
0xf: {  	s16 =	sadd.s32 $0x80, s14;
	s20 =	smov.u32 s14;
	p2 =	sgt.s32 s18, $0x4  }
0x10: {  	s20 =	smov.u32 @p2 s16  }
0x11: {  	s18 =	simm.s32 @p2 $0x0;
	p2 =	sgt.s32 s20, $0x63F  }
0x12: {  	s20 =	smov.u32 @p2 s2;
	p2 =	sne.s32 s15, s10  }
.Ltmp1:
0x13: {  	p1 =	slt.u32 s15, $0x2;
	(pc) =	sbr.rel @!p2 .LBB1_8-.Ltmp1, $4  }
0x14: {  	s19 =	simm.s32 @!p1 $0x2  }
0x15: {  	s17 =	smov.u32 s14;
	p0 =	por !p0, !p0;
	_ =	swait.ge @!p1 [sflag:s19], $0x4000  }
0x16: {  	s16 =	smov.u32 s13;
	[sflag:s19] =	ssyncset.done @!p1 $0x0;
	s13 =	smov.u32 s18  }
0x17: {  	s15 =	sadd.s32 $0x1, s15;
	[sflag:s19] =	ssyncadd.s32 @!p1 $0xFFFFC000;
	s14 =	smov.u32 s20  }
.LBB1_1:
0x18: {  	p1 =	sge.u32 s15, s6  }
0x19: {  	s19 =	smul.u32 @!p1 $0x2800, s14  }
0x1a: {  	s18 =	sxor.u32 @!p1 $0xFFFFFFFF, s15;
	s20 =	sshll.u32 @!p1 s13, $0xB  }
0x1b: {  	s22 =	simm.s32 @!p1 $0x20;
	s18 =	sshll.u32 @!p1 s18, $0xE;
	s21 =	sadd.s32 @!p1 s4, s19  }
0x1c: {  	s23 =	simm.s32 @!p1 $0x80;
	s18 =	sand.u32 @!p1 $0x4000, s18;
	s21 =	sadd.s32 @!p1 s20, s21  }
0x1d: {  	[tilespmem:s18], [sflag:$0x1] =	stream.strided.gather @!p1 [hbm4b:s21+s22], $0x1000, s23, s22, $0x38;
	[tilespmem:$0x10100] =	vst v63  }
0x1e: {  	s21 =	sadd.s32 @!p1 s19, s7  }
0x1f: {  	s24 =	sor.u32 @!p1 $0x1000, s18;
	s21 =	sadd.s32 @!p1 s20, s21  }
0x20: {  	[tilespmem:s24], [sflag:$0x1] =	stream.strided.gather @!p1 [hbm4b:s21+s22], $0x1000, s23, s22, $0x38;
	[tilespmem:$0x10100] =	vst v63  }
0x21: {  	s21 =	sadd.s32 @!p1 s19, s8  }
0x22: {  	s24 =	sor.u32 @!p1 $0x2000, s18;
	s19 =	sadd.s32 @!p1 s19, s9;
	s21 =	sadd.s32 @!p1 s20, s21  }
0x23: {  	[tilespmem:s24], [sflag:$0x1] =	stream.strided.gather @!p1 [hbm4b:s21+s22], $0x1000, s23, s22, $0x38;
	[tilespmem:$0x10100] =	vst v63  }
0x24: {  	s31 =	sadd.s32 $0xFFFFFFFF, s15;
	s18 =	sor.u32 @!p1 $0x3000, s18;
	s19 =	sadd.s32 @!p1 s20, s19  }
0x25: {  	[tilespmem:s18], [sflag:$0x1] =	stream.strided.gather @!p1 [hbm4b:s19+s22], $0x1000, s23, s22, $0x38;
	[tilespmem:$0x10100] =	vst v63  }
0x26: {  	p1 =	sge.u32 s31, s6  }
.Ltmp2:
0x27: {  	_ = 	snop;
	(pc) =	sbr.rel @p1 .LBB1_7-.Ltmp2, $1  }
0x28: {  	_ =	sdelay $0x3  }
0x29: {  	s19 =	simm.s32 $0x1;
	s20 =	sand.u32 $0x1, s15  }
0x2a: {  	_ =	swait.ge [sflag:s5], $0x4000;
	s19 =	simm.s32 @!p0 $0x0;
	s21 =	smul.u32 $0x10200, s20  }
0x2b: {  	[sflag:s5] =	ssyncset.done $0x0;
	s18 =	smul.u32 $0x10200, s19  }
0x2c: {  	s19 =	sshll.u32 s19, $0xE;
	[sflag:s5] =	ssyncadd.s32 $0xFFFFC000  }
0x2d: {  	s20 =	sor.u32 $0x10, s19;
	s31 =	sshrl.u32 s21, $0x2;
	s18 =	sshrl.u32 s18, $0x2  }
0x2e: {  	s21 =	simm.s32 $0x0;
	s19 =	sor.u32 $0x8000, s31;
	s18 =	sor.u32 $0x8000, s18  }
.LBB1_3:
0x2f: {  	v1 =	vld [tilespmem:s20+$0x0]  }
0x30: {  	v0 =	vld [tilespmem:s20+$0xFFFFFFF0];
	_ =	sdelay $0x2  }
0x31: {  	s24 =	sadd.s32 $0x0, s18  }
0x32: {  	s22 =	simm.s32 $0x4;
	s23 =	sadd.s32 $0x20, s20;
	[tilespmem:s24+$0x810 ss:$0x81] =	vst.msk $0xffff, v1  }
.LBB1_4:
0x33: {  	v1 =	vld [tilespmem:s23+$0x0];
	p1 =	sne.s32 s22, $0x1FC;
	[tilespmem:s24+$0x0 ss:$0x81] =	vst.msk $0xffff, v0;
	s24 =	smov.u32 s22;
	s22 =	sadd.s32 $0x4, s22  }
.Ltmp3:
0x34: {  	v0 =	vld [tilespmem:s23+$0xFFFFFFF0];
	(pc) =	sbr.rel @p1 .LBB1_4-.Ltmp3, $4  }
0x35: {  	_ = 	snop  }
0x36: {  	s24 =	sshra.s32 s24, $0x2  }
0x37: {  	s24 =	sadd.s32 s24, s18  }
0x38: {  	s23 =	sadd.s32 $0x20, s23;
	[tilespmem:s24+$0x810 ss:$0x81] =	vst.msk $0xffff, v1  }
0x39: {  	s21 =	sadd.s32 $0x1, s21  }
0x3a: {  	p1 =	sne.s32 s21, $0x4  }
.Ltmp4:
0x3b: {  	_ = 	snop;
	(pc) =	sbr.rel @p1 .LBB1_3-.Ltmp4, $2  }
0x3c: {  	_ =	sdelay $0x2  }
0x3d: {  	[tilespmem:s24+$0x0 ss:$0x81] =	vst.msk $0xffff, v0;
	s18 =	sadd.s32 $0x1020, s18;
	s20 =	sadd.s32 $0x1000, s20  }
0x3e: {  	s17 =	smul.u32 $0xA00, s17  }
.Ltmp5:
0x3f: {  	_ = 	snop;
	(pc) =	sbr.rel .LBB1_7-.Ltmp5, $4  }
0x40: {  	_ = 	snop  }
0x41: {  	s16 =	sshll.u32 s16, $0x9;
	s17 =	sadd.s32 s3, s17  }
0x42: {  	s16 =	sadd.s32 s16, s17  }
0x43: {  	[hbm4b:s16+s11] =	stream.strided.scatter [tilespmem:s19], [sflag:$0x2], $0x4000, s12, s11, $0x20;
	[tilespmem:$0x10100] =	vst v63  }
.LBB1_8:
0x44: {  	_ =	sfence.sel $0x180000  }
0x45: {  	s2 =	simm.s32 $0x1;
	[bflag:$0x0] =	sbarrier.arrive $0xFFFF  }
0x46: {  	s31 =	simm.s32 $0x2;
	[sflag:s2] =	ssyncpa.u1 $0x1  }
0x47: {  	[sflag:s31] =	ssyncpa.u1 $0x1  }
0x48: {  	p0 =	sne.s32 s0, $0x0;
	_ =	strace $0x9000004A  }
0x49: {  	s0 =	sadd.s32 @!p0 $0x100000, s1;
	[bflag:$0x2] =	sbarrier.arrive $0xFFFF  }
0x4a: {  	[sflag:s0] =	ssyncadd.tile.s32 @!p0 $0x1;
	_ =	shalt  }
.Lfunc_end1:
_tile_overlayer_lowered:
.L_overlay_start_2:
0x4b: {  	(tag) =	ssettag $0x2  }
0x4c: {  	s0 =	rddreg [dreg:$0x0];
	s2 =	stileid.u32  }
0x4d: {  	s1 =	rddreg [dreg:$0x1];
	p0 =	sne.s32 s2, $0x0  }
0x4e: {  	s3 =	rddreg [dreg:$0x2];
	[bflag:$0x3] =	sbarrier.arrive $0xFFFF;
	s2 =	simm.s32 @!p0 $0x1C01  }
0x4f: {  	[timem:s3], [sflag:s2] =	dma.local @!p0 [hbm:s0], s1  }
0x50: {  	s0 =	simm.s32 @!p0 $0x1  }
0x51: {  	_ =	swait.ge @!p0 [sflag:s0], s1  }
0x52: {  	s1 =	ssub.s32 @!p0 $0x0, s1;
	[sflag:s0] =	ssyncset.done @!p0 $0x0  }
0x53: {  	[sflag:s0] =	ssyncadd.s32 @!p0 s1  }
0x54: {  	[bflag:$0x3] =	sbarrier.arrive $0xFFFF  }
0x55: {  	_ =	shalt  }

</sc_bundles>
